<compile_context>
chip_gen: v7x
topology: tpu7x:2x2x1
jax: 0.10.2.dev20260603
libtpu: 0.0.44.dev20260713+nightly
codegen_flags: <defaults>
</compile_context>

<pallas_src>
import functools

import jax
import jax.numpy as jnp
from jax import lax
from jax.experimental import pallas as pl
from jax.experimental.pallas import tpu as pltpu
from jax.experimental.pallas import tpu_sc as plsc

B = 16384
S = 100
FID = 1000000

SPLITS = (8192, 8192)
OFFS = (0, 8192)

NW = 32

_sc_mesh = plsc.VectorSubcoreMesh(core_axis_name="c", subcore_axis_name="s")


def _make_gather(start, nrows):
    rpw = nrows // NW
    nchunk = -(-rpw // 256)
    while rpw % nchunk:
        nchunk += 1
    chunk = rpw // nchunk

    @functools.partial(
        pl.kernel,
        out_type=jax.ShapeDtypeStruct((nrows, S), jnp.int32),
        mesh=_sc_mesh,
        scratch_types=[
            pltpu.VMEM((rpw, S), jnp.int32),
            pltpu.VMEM((chunk, S), jnp.int32),
            pltpu.SemaphoreType.DMA,
        ],
        compiler_params=pltpu.CompilerParams(use_tc_tiling_on_sc=True),
    )
    def _sc_gather(idx_hbm, tab_hbm, out_hbm, idx_v, vals_v, sem):
        w = lax.axis_index("s") * 2 + lax.axis_index("c")
        base = w * rpw
        pltpu.sync_copy(idx_hbm.at[pl.ds(start + base, rpw)], idx_v)

        def chunk_body(ci, carry):
            row0 = ci * chunk

            def fire(j, c):
                pltpu.async_copy(
                    tab_hbm.at[idx_v.at[row0 + j]], vals_v.at[j], sem)
                return c

            lax.fori_loop(0, chunk, fire, 0)

            def drain(j, c):
                pltpu.make_async_copy(
                    tab_hbm.at[idx_v.at[row0 + j]], vals_v.at[j], sem
                ).wait()
                return c

            lax.fori_loop(0, chunk, drain, 0)
            pltpu.sync_copy(vals_v, out_hbm.at[pl.ds(base + row0, chunk)])
            return carry

        lax.fori_loop(0, nchunk, chunk_body, 0)

    return _sc_gather


_gathers = [_make_gather(o, n) for o, n in zip(OFFS, SPLITS)]


BM = 4096
N1 = 640


_DN_T = (((1,), (1,)), ((), ()))
_DN_M = (((1,), (0,)), ((), ()))


def _tc_tower(nb, prev_ref, x_ref, lab_ref, w1_ref, b1_ref, cc_ref, w2_ref,
              b2_ref, w3_ref, gb_ref, pred_ref, part_ref, acc_ref):
    del prev_ref
    i = pl.program_id(0)
    xi = x_ref[...]
    x_sp = lax.bitcast_convert_type(
        xi & jnp.int32(-65536), jnp.float32).astype(jnp.bfloat16)
    x_ct = lax.bitcast_convert_type(
        xi << 16, jnp.float32).astype(jnp.bfloat16)

    h0 = lax.dot_general(w1_ref[...], x_sp, _DN_T,
                         preferred_element_type=jnp.float32)
    bias_row = h0[512:513, :]
    cp = lax.dot_general(cc_ref[...], x_ct, _DN_T,
                         preferred_element_type=jnp.float32)
    cert_row = cp[0:1, :]

    h = jnp.maximum(h0[0:512, :] + b1_ref[...], 0.0).astype(jnp.bfloat16)
    h = lax.dot_general(w2_ref[...], h, _DN_M,
                        preferred_element_type=jnp.float32)
    h = jnp.maximum(h + b2_ref[...], 0.0).astype(jnp.bfloat16)
    nn = lax.dot_general(w3_ref[...], h, _DN_M,
                         preferred_element_type=jnp.float32)

    logits = bias_row + gb_ref[0] + nn[0:1, :]
    pred_ref[0] = jax.nn.sigmoid(logits)

    raw = jax.nn.sigmoid(cert_row) + 0.5
    lab = lab_ref[0]
    xent = (jnp.maximum(logits, 0.0) - logits * lab
            + jnp.log1p(jnp.exp(-jnp.abs(logits))))
    pa = jnp.sum(xent * raw)
    pc = jnp.sum(raw)

    @pl.when(i == 0)
    def _init():
        acc_ref[0] = pa
        acc_ref[1] = pc

    @pl.when(i > 0)
    def _accum():
        acc_ref[0] += pa
        acc_ref[1] += pc

    @pl.when(i == nb - 1)
    def _fin():
        part_ref[0] = acc_ref[0]
        part_ref[1] = acc_ref[1]


def _make_tower(nrows, blk_off):
    nb = nrows // BM
    return pl.pallas_call(
        functools.partial(_tc_tower, nb),
        grid=(nb,),
        in_specs=[
            pl.BlockSpec(memory_space=pltpu.MemorySpace.HBM),
            pl.BlockSpec((BM, S), lambda i: (i, 0)),
            pl.BlockSpec((1, 1, BM), lambda i: (i, 0, 0)),
            pl.BlockSpec((N1, S), lambda i: (0, 0)),
            pl.BlockSpec((512, 1), lambda i: (0, 0)),
            pl.BlockSpec((8, S), lambda i: (0, 0)),
            pl.BlockSpec((256, 512), lambda i: (0, 0)),
            pl.BlockSpec((256, 1), lambda i: (0, 0)),
            pl.BlockSpec((8, 256), lambda i: (0, 0)),
            pl.BlockSpec(memory_space=pltpu.SMEM),
        ],
        out_specs=[
            pl.BlockSpec((1, 1, BM), lambda i: (i + blk_off, 0, 0)),
            pl.BlockSpec(memory_space=pltpu.SMEM),
        ],
        out_shape=[
            jax.ShapeDtypeStruct((B // BM, 1, BM), jnp.float32),
            jax.ShapeDtypeStruct((2,), jnp.float32),
        ],
        scratch_shapes=[pltpu.SMEM((2,), jnp.float32)],
        input_output_aliases={0: 0},
    )


_towers = [_make_tower(n, o // BM) for o, n in zip(OFFS, SPLITS)]


def kernel(slot_bias_fid_index, label, sparse_bias, certain_bias,
           global_bias, W1, b1, W2, b2, W3, b3):
    sb = lax.bitcast_convert_type(
        sparse_bias.astype(jnp.bfloat16), jnp.uint16).astype(jnp.uint32)
    cb = lax.bitcast_convert_type(
        certain_bias.astype(jnp.bfloat16), jnp.uint16).astype(jnp.uint32)
    tab = lax.bitcast_convert_type((sb << 16) | cb, jnp.int32)

    bf = jnp.bfloat16
    one = jnp.float32(1.0).astype(bf)
    w1a = jnp.zeros((N1, S), bf).at[:512].set(W1.T.astype(bf))
    w1a = w1a.at[512].set(one)
    cc = jnp.zeros((8, S), bf).at[0].set(one)
    w3c = jnp.zeros((8, 256), bf).at[0].set(W3[:, 0].astype(bf))
    gb = (global_bias[0] + b3[0]).reshape(1)
    w2b = W2.T.astype(bf)
    b1r = b1.reshape(512, 1)
    b2r = b2.reshape(256, 1)

    pred_acc = jnp.zeros((B // BM, 1, BM), jnp.float32)
    pas, pcs = [], []
    for h, (off, nrows) in enumerate(zip(OFFS, SPLITS)):
        lab_h = lax.slice(label, (off,), (off + nrows,))
        x_h = _gathers[h](slot_bias_fid_index, tab)
        pred_acc, part_h = _towers[h](
            pred_acc, x_h, lab_h.reshape(nrows // BM, 1, BM),
            w1a, b1r, cc, w2b, b2r, w3c, gb)
        pas.append(part_h[0])
        pcs.append(part_h[1])

    pa = sum(pas)
    pc = sum(pcs)
    loss = pa * jnp.float32(B) / pc
    return pred_acc.reshape(B), loss

# --- scband reference (transcript-rebuilt; emitter-appended) ---
"""Pipeline reference for scband-lrmodel-16561393893663 (READ-ONLY COPY).

The authoritative reference and input builder live on the scoring server;
editing this copy changes nothing except your own understanding.
"""

import jax, jax.numpy as jnp
import numpy as np

B = 16384
S = 100
FID_NUM = 1000000
DIMS = [512, 256, 1]


def setup_inputs(seed: int = 0) -> dict:
    key = jax.random.key(seed)
    ks = jax.random.split(key, 12)
    slot_bias_fid_index = jax.random.randint(ks[0], (B, S), 0, FID_NUM, dtype=jnp.int32)
    label = jax.random.uniform(ks[1], (B,), dtype=jnp.float32)
    sparse_bias = jax.random.normal(ks[2], (FID_NUM,), dtype=jnp.float32) * 0.01
    certain_bias = jax.random.normal(ks[3], (FID_NUM,), dtype=jnp.float32) * 0.01
    global_bias = jnp.zeros((1,), dtype=jnp.float32)
    W1 = jax.random.normal(ks[4], (S, DIMS[0]), dtype=jnp.float32) * (1.0 / np.sqrt(S))
    b1 = jnp.zeros((DIMS[0],), dtype=jnp.float32)
    W2 = jax.random.normal(ks[5], (DIMS[0], DIMS[1]), dtype=jnp.float32) * (1.0 / np.sqrt(DIMS[0]))
    b2 = jnp.zeros((DIMS[1],), dtype=jnp.float32)
    W3 = jax.random.normal(ks[6], (DIMS[1], DIMS[2]), dtype=jnp.float32) * (1.0 / np.sqrt(DIMS[1]))
    b3 = jnp.zeros((DIMS[2],), dtype=jnp.float32)
    return {
        "slot_bias_fid_index": slot_bias_fid_index,
        "label": label,
        "sparse_bias": sparse_bias,
        "certain_bias": certain_bias,
        "global_bias": global_bias,
        "W1": W1, "b1": b1, "W2": W2, "b2": b2, "W3": W3, "b3": b3,
    }


def _sigmoid_xent(labels, logits):
    # tf.nn.sigmoid_cross_entropy_with_logits: max(x,0) - x*z + log(1 + exp(-|x|))
    return jnp.maximum(logits, 0.0) - logits * labels + jnp.log1p(jnp.exp(-jnp.abs(logits)))


def reference(slot_bias_fid_index, label, sparse_bias, certain_bias, global_bias, W1, b1, W2, b2, W3, b3):
    # sparse embedding gather: [B, S]
    bias_input = jnp.take(sparse_bias, slot_bias_fid_index, axis=0)
    bias_sum = jnp.sum(bias_input, axis=1)
    logits = bias_sum + global_bias[0]
    # dense tower on gathered bias values (bias_nn_dims)
    h = jax.nn.relu(bias_input @ W1 + b1)
    h = jax.nn.relu(h @ W2 + b2)
    nn = h @ W3 + b3  # [B, 1]
    nn_out = jnp.sum(nn, axis=1)
    logits = logits + nn_out
    pred = jax.nn.sigmoid(logits)
    # certainly weighting path
    certain_input = jnp.take(certain_bias, slot_bias_fid_index, axis=0)
    certain_logits = jnp.sum(certain_input, axis=1)
    certainly_raw = jax.nn.sigmoid(certain_logits) + 0.5
    certainly = certainly_raw / jnp.mean(certainly_raw)
    loss_vec = _sigmoid_xent(label, logits) * certainly
    loss = jnp.sum(loss_vec)
    return pred, loss

if __name__ == "__main__":
    import jax
    _d = setup_inputs()
    print(jax.jit(kernel)(*tuple(_d.values())))

</pallas_src>

<mosaic_0001>
#map = affine_map<(d0, d1) -> (0, 0)>
#map1 = affine_map<(d0, d1) -> (0)>
module attributes {stable_mosaic.version = 14 : i64} {
  func.func @_sc_gather(%arg0: i32, %arg1: i32, %arg2: memref<16384x100xi32, #tpu.memory_space<hbm>>, %arg3: memref<1000000xi32, #tpu.memory_space<hbm>>, %arg4: memref<8192x100xi32, #tpu.memory_space<hbm>>, %arg5: memref<256x100xi32, #tpu.memory_space<vmem>>, %arg6: memref<256x100xi32, #tpu.memory_space<vmem>>, %arg7: memref<!tpu.dma_semaphore, #tpu.memory_space<semaphore_mem>>) attributes {dimension_semantics = [#tpu.dimension_semantics<core_parallel>, #tpu.dimension_semantics<subcore_parallel>], iteration_bounds = array<i64: 2, 16>, scalar_prefetch = 0 : i64, scratch_operands = 3 : i64, tpu.core_type = #tpu.core_type<sc_vector_subcore>, window_params = [{transform_indices = #map}, {transform_indices = #map1}, {transform_indices = #map}]} {
    %mul3A = arith.constant 2 : i32
    %mul3A_0 = arith.muli %arg1, %mul3A : i32
    %add3A = arith.addi %mul3A_0, %arg0 : i32
    %mul3A_1 = arith.constant 256 : i32
    %mul3A_2 = arith.muli %add3A, %mul3A_1 : i32
    %add3A_3 = arith.constant 8192 : i32
    %add3A_4 = arith.addi %add3A_3, %mul3A_2 : i32
    "tpu.region"() ({
      %run_scoped3A = tpu.sem_alloc : memref<!tpu.dma_semaphore, #tpu.memory_space<semaphore_mem>>
      %dma_start3A = arith.constant 0 : i32
      %dma_start3A_22 = tpu.memref_slice %arg2[%add3A_4, %dma_start3A] : memref<16384x100xi32, #tpu.memory_space<hbm>> -> memref<256x100xi32, #tpu.memory_space<hbm>>
      %dma_start3A_23 = arith.constant 0 : i32
      %dma_start3A_24 = tpu.memref_slice %arg2[%add3A_4, %dma_start3A_23] : memref<16384x100xi32, #tpu.memory_space<hbm>> -> memref<256x100xi32, #tpu.memory_space<hbm>>
      tpu.enqueue_dma source(%dma_start3A_24 : memref<256x100xi32, #tpu.memory_space<hbm>>) target(%arg5 : memref<256x100xi32, #tpu.memory_space<vmem>>) target_semaphore(%run_scoped3A : memref<!tpu.dma_semaphore, #tpu.memory_space<semaphore_mem>>)
      %dma_wait3A = arith.constant 0 : i32
      %dma_wait3A_25 = tpu.memref_slice %arg2[%add3A_4, %dma_wait3A] : memref<16384x100xi32, #tpu.memory_space<hbm>> -> memref<256x100xi32, #tpu.memory_space<hbm>>
      %dma_wait3A_26 = arith.constant 0 : i32
      %dma_wait3A_27 = tpu.memref_slice %arg2[%add3A_4, %dma_wait3A_26] : memref<16384x100xi32, #tpu.memory_space<hbm>> -> memref<256x100xi32, #tpu.memory_space<hbm>>
      tpu.wait_dma2 semaphore(%run_scoped3A : memref<!tpu.dma_semaphore, #tpu.memory_space<semaphore_mem>>) src(%dma_wait3A_27 : memref<256x100xi32, #tpu.memory_space<hbm>>) dst(%arg5 : memref<256x100xi32, #tpu.memory_space<vmem>>)
      tpu.yield
    }) : () -> ()
    %scan3A = arith.constant 0 : i32
    %scan3A_5 = arith.constant 0 : i32
    %mul3A_6 = arith.constant 256 : i32
    %mul3A_7 = arith.muli %scan3A_5, %mul3A_6 : i32
    %scan3A_8 = arith.constant 0 : i32
    %scan3A_9 = arith.constant 0 : i32
    %scan3A_10 = arith.constant 256 : i32
    %scan3A_11 = arith.addi %scan3A_9, %scan3A_10 : i32
    %scan3A_12 = arith.constant 1 : i32
    scf.for %scan3A_22 = %scan3A_9 to %scan3A_11 step %scan3A_12  : i32 {
      %add3A_23 = arith.addi %mul3A_7, %scan3A_22 : i32
      %dma_start3A = arith.constant 0 : i32
      %dma_start3A_24 = tpu.memref_slice %arg6[%scan3A_22, %dma_start3A] : memref<256x100xi32, #tpu.memory_space<vmem>> -> memref<1x100xi32, #tpu.memory_space<vmem>>
      %dma_start3A_25 = tpu.memref_squeeze %dma_start3A_24 : memref<1x100xi32, #tpu.memory_space<vmem>> -> memref<100xi32, #tpu.memory_space<vmem>>
      %dma_start3A_26 = arith.constant 0 : i32
      %dma_start3A_27 = tpu.memref_slice %arg5[%add3A_23, %dma_start3A_26] : memref<256x100xi32, #tpu.memory_space<vmem>> -> memref<1x100xi32, #tpu.memory_space<vmem>>
      %dma_start3A_28 = tpu.memref_squeeze %dma_start3A_27 : memref<1x100xi32, #tpu.memory_space<vmem>> -> memref<100xi32, #tpu.memory_space<vmem>>
      %dma_start3A_29 = arith.constant 0 : i32
      %dma_start3A_30 = tpu.memref_slice %arg3[%dma_start3A_29] : memref<1000000xi32, #tpu.memory_space<hbm>> -> memref<1000000xi32, #tpu.memory_space<hbm>>
      tpu.enqueue_indirect_dma source(%dma_start3A_30 : memref<1000000xi32, #tpu.memory_space<hbm>>) target(%dma_start3A_25 : memref<100xi32, #tpu.memory_space<vmem>>) offsets(%dma_start3A_28 : memref<100xi32, #tpu.memory_space<vmem>>) semaphore(%arg7 : memref<!tpu.dma_semaphore, #tpu.memory_space<semaphore_mem>>)
    }
    %scan3A_13 = arith.constant 256 : i32
    %scan3A_14 = arith.constant 0 : i32
    %scan3A_15 = arith.constant 0 : i32
    %scan3A_16 = arith.constant 256 : i32
    %scan3A_17 = arith.addi %scan3A_15, %scan3A_16 : i32
    %scan3A_18 = arith.constant 1 : i32
    scf.for %scan3A_22 = %scan3A_15 to %scan3A_17 step %scan3A_18  : i32 {
      %add3A_23 = arith.addi %mul3A_7, %scan3A_22 : i32
      %dma_wait3A = arith.constant 0 : i32
      %dma_wait3A_24 = tpu.memref_slice %arg6[%scan3A_22, %dma_wait3A] : memref<256x100xi32, #tpu.memory_space<vmem>> -> memref<1x100xi32, #tpu.memory_space<vmem>>
      %dma_wait3A_25 = tpu.memref_squeeze %dma_wait3A_24 : memref<1x100xi32, #tpu.memory_space<vmem>> -> memref<100xi32, #tpu.memory_space<vmem>>
      %dma_wait3A_26 = arith.constant 0 : i32
      %dma_wait3A_27 = tpu.memref_slice %arg5[%add3A_23, %dma_wait3A_26] : memref<256x100xi32, #tpu.memory_space<vmem>> -> memref<1x100xi32, #tpu.memory_space<vmem>>
      %dma_wait3A_28 = tpu.memref_squeeze %dma_wait3A_27 : memref<1x100xi32, #tpu.memory_space<vmem>> -> memref<100xi32, #tpu.memory_space<vmem>>
      %dma_wait3A_29 = arith.constant 0 : i32
      %dma_wait3A_30 = tpu.memref_slice %arg3[%dma_wait3A_29] : memref<1000000xi32, #tpu.memory_space<hbm>> -> memref<1000000xi32, #tpu.memory_space<hbm>>
      tpu.wait_indirect_dma semaphore(%arg7 : memref<!tpu.dma_semaphore, #tpu.memory_space<semaphore_mem>>) src(%dma_wait3A_30 : memref<1000000xi32, #tpu.memory_space<hbm>>) dst(%dma_wait3A_25 : memref<100xi32, #tpu.memory_space<vmem>>)
    }
    %scan3A_19 = arith.constant 256 : i32
    %add3A_20 = arith.addi %mul3A_2, %mul3A_7 : i32
    "tpu.region"() ({
      %run_scoped3A = tpu.sem_alloc : memref<!tpu.dma_semaphore, #tpu.memory_space<semaphore_mem>>
      %dma_start3A = arith.constant 0 : i32
      %dma_start3A_22 = tpu.memref_slice %arg4[%add3A_20, %dma_start3A] : memref<8192x100xi32, #tpu.memory_space<hbm>> -> memref<256x100xi32, #tpu.memory_space<hbm>>
      %dma_start3A_23 = arith.constant 0 : i32
      %dma_start3A_24 = tpu.memref_slice %arg4[%add3A_20, %dma_start3A_23] : memref<8192x100xi32, #tpu.memory_space<hbm>> -> memref<256x100xi32, #tpu.memory_space<hbm>>
      tpu.enqueue_dma source(%arg6 : memref<256x100xi32, #tpu.memory_space<vmem>>) target(%dma_start3A_24 : memref<256x100xi32, #tpu.memory_space<hbm>>) target_semaphore(%run_scoped3A : memref<!tpu.dma_semaphore, #tpu.memory_space<semaphore_mem>>)
      %dma_wait3A = arith.constant 0 : i32
      %dma_wait3A_25 = tpu.memref_slice %arg4[%add3A_20, %dma_wait3A] : memref<8192x100xi32, #tpu.memory_space<hbm>> -> memref<256x100xi32, #tpu.memory_space<hbm>>
      %dma_wait3A_26 = arith.constant 0 : i32
      %dma_wait3A_27 = tpu.memref_slice %arg4[%add3A_20, %dma_wait3A_26] : memref<8192x100xi32, #tpu.memory_space<hbm>> -> memref<256x100xi32, #tpu.memory_space<hbm>>
      tpu.wait_dma2 semaphore(%run_scoped3A : memref<!tpu.dma_semaphore, #tpu.memory_space<semaphore_mem>>) src(%arg6 : memref<256x100xi32, #tpu.memory_space<vmem>>) dst(%dma_wait3A_27 : memref<256x100xi32, #tpu.memory_space<hbm>>)
      tpu.yield
    }) : () -> ()
    %scan3A_21 = arith.constant 1 : i32
    return
  }
}

#map = affine_map<(d0, d1) -> (0, 0)>
#map1 = affine_map<(d0, d1) -> (0)>
module attributes {stable_mosaic.version = 14 : i64} {
  func.func @_sc_gather(%arg0: i32, %arg1: i32, %arg2: memref<16384x100xi32, #tpu.memory_space<hbm>>, %arg3: memref<1000000xi32, #tpu.memory_space<hbm>>, %arg4: memref<8192x100xi32, #tpu.memory_space<hbm>>, %arg5: memref<256x100xi32, #tpu.memory_space<vmem>>, %arg6: memref<256x100xi32, #tpu.memory_space<vmem>>, %arg7: memref<!tpu.dma_semaphore, #tpu.memory_space<semaphore_mem>>) attributes {dimension_semantics = [#tpu.dimension_semantics<core_parallel>, #tpu.dimension_semantics<subcore_parallel>], iteration_bounds = array<i64: 2, 16>, scalar_prefetch = 0 : i64, scratch_operands = 3 : i64, tpu.core_type = #tpu.core_type<sc_vector_subcore>, window_params = [{transform_indices = #map}, {transform_indices = #map1}, {transform_indices = #map}]} {
    %mul3A = arith.constant 2 : i32
    %mul3A_0 = arith.muli %arg1, %mul3A : i32
    %add3A = arith.addi %mul3A_0, %arg0 : i32
    %mul3A_1 = arith.constant 256 : i32
    %mul3A_2 = arith.muli %add3A, %mul3A_1 : i32
    %add3A_3 = arith.constant 0 : i32
    %add3A_4 = arith.addi %add3A_3, %mul3A_2 : i32
    "tpu.region"() ({
      %run_scoped3A = tpu.sem_alloc : memref<!tpu.dma_semaphore, #tpu.memory_space<semaphore_mem>>
      %dma_start3A = arith.constant 0 : i32
      %dma_start3A_22 = tpu.memref_slice %arg2[%add3A_4, %dma_start3A] : memref<16384x100xi32, #tpu.memory_space<hbm>> -> memref<256x100xi32, #tpu.memory_space<hbm>>
      %dma_start3A_23 = arith.constant 0 : i32
      %dma_start3A_24 = tpu.memref_slice %arg2[%add3A_4, %dma_start3A_23] : memref<16384x100xi32, #tpu.memory_space<hbm>> -> memref<256x100xi32, #tpu.memory_space<hbm>>
      tpu.enqueue_dma source(%dma_start3A_24 : memref<256x100xi32, #tpu.memory_space<hbm>>) target(%arg5 : memref<256x100xi32, #tpu.memory_space<vmem>>) target_semaphore(%run_scoped3A : memref<!tpu.dma_semaphore, #tpu.memory_space<semaphore_mem>>)
      %dma_wait3A = arith.constant 0 : i32
      %dma_wait3A_25 = tpu.memref_slice %arg2[%add3A_4, %dma_wait3A] : memref<16384x100xi32, #tpu.memory_space<hbm>> -> memref<256x100xi32, #tpu.memory_space<hbm>>
      %dma_wait3A_26 = arith.constant 0 : i32
      %dma_wait3A_27 = tpu.memref_slice %arg2[%add3A_4, %dma_wait3A_26] : memref<16384x100xi32, #tpu.memory_space<hbm>> -> memref<256x100xi32, #tpu.memory_space<hbm>>
      tpu.wait_dma2 semaphore(%run_scoped3A : memref<!tpu.dma_semaphore, #tpu.memory_space<semaphore_mem>>) src(%dma_wait3A_27 : memref<256x100xi32, #tpu.memory_space<hbm>>) dst(%arg5 : memref<256x100xi32, #tpu.memory_space<vmem>>)
      tpu.yield
    }) : () -> ()
    %scan3A = arith.constant 0 : i32
    %scan3A_5 = arith.constant 0 : i32
    %mul3A_6 = arith.constant 256 : i32
    %mul3A_7 = arith.muli %scan3A_5, %mul3A_6 : i32
    %scan3A_8 = arith.constant 0 : i32
    %scan3A_9 = arith.constant 0 : i32
    %scan3A_10 = arith.constant 256 : i32
    %scan3A_11 = arith.addi %scan3A_9, %scan3A_10 : i32
    %scan3A_12 = arith.constant 1 : i32
    scf.for %scan3A_22 = %scan3A_9 to %scan3A_11 step %scan3A_12  : i32 {
      %add3A_23 = arith.addi %mul3A_7, %scan3A_22 : i32
      %dma_start3A = arith.constant 0 : i32
      %dma_start3A_24 = tpu.memref_slice %arg6[%scan3A_22, %dma_start3A] : memref<256x100xi32, #tpu.memory_space<vmem>> -> memref<1x100xi32, #tpu.memory_space<vmem>>
      %dma_start3A_25 = tpu.memref_squeeze %dma_start3A_24 : memref<1x100xi32, #tpu.memory_space<vmem>> -> memref<100xi32, #tpu.memory_space<vmem>>
      %dma_start3A_26 = arith.constant 0 : i32
      %dma_start3A_27 = tpu.memref_slice %arg5[%add3A_23, %dma_start3A_26] : memref<256x100xi32, #tpu.memory_space<vmem>> -> memref<1x100xi32, #tpu.memory_space<vmem>>
      %dma_start3A_28 = tpu.memref_squeeze %dma_start3A_27 : memref<1x100xi32, #tpu.memory_space<vmem>> -> memref<100xi32, #tpu.memory_space<vmem>>
      %dma_start3A_29 = arith.constant 0 : i32
      %dma_start3A_30 = tpu.memref_slice %arg3[%dma_start3A_29] : memref<1000000xi32, #tpu.memory_space<hbm>> -> memref<1000000xi32, #tpu.memory_space<hbm>>
      tpu.enqueue_indirect_dma source(%dma_start3A_30 : memref<1000000xi32, #tpu.memory_space<hbm>>) target(%dma_start3A_25 : memref<100xi32, #tpu.memory_space<vmem>>) offsets(%dma_start3A_28 : memref<100xi32, #tpu.memory_space<vmem>>) semaphore(%arg7 : memref<!tpu.dma_semaphore, #tpu.memory_space<semaphore_mem>>)
    }
    %scan3A_13 = arith.constant 256 : i32
    %scan3A_14 = arith.constant 0 : i32
    %scan3A_15 = arith.constant 0 : i32
    %scan3A_16 = arith.constant 256 : i32
    %scan3A_17 = arith.addi %scan3A_15, %scan3A_16 : i32
    %scan3A_18 = arith.constant 1 : i32
    scf.for %scan3A_22 = %scan3A_15 to %scan3A_17 step %scan3A_18  : i32 {
      %add3A_23 = arith.addi %mul3A_7, %scan3A_22 : i32
      %dma_wait3A = arith.constant 0 : i32
      %dma_wait3A_24 = tpu.memref_slice %arg6[%scan3A_22, %dma_wait3A] : memref<256x100xi32, #tpu.memory_space<vmem>> -> memref<1x100xi32, #tpu.memory_space<vmem>>
      %dma_wait3A_25 = tpu.memref_squeeze %dma_wait3A_24 : memref<1x100xi32, #tpu.memory_space<vmem>> -> memref<100xi32, #tpu.memory_space<vmem>>
      %dma_wait3A_26 = arith.constant 0 : i32
      %dma_wait3A_27 = tpu.memref_slice %arg5[%add3A_23, %dma_wait3A_26] : memref<256x100xi32, #tpu.memory_space<vmem>> -> memref<1x100xi32, #tpu.memory_space<vmem>>
      %dma_wait3A_28 = tpu.memref_squeeze %dma_wait3A_27 : memref<1x100xi32, #tpu.memory_space<vmem>> -> memref<100xi32, #tpu.memory_space<vmem>>
      %dma_wait3A_29 = arith.constant 0 : i32
      %dma_wait3A_30 = tpu.memref_slice %arg3[%dma_wait3A_29] : memref<1000000xi32, #tpu.memory_space<hbm>> -> memref<1000000xi32, #tpu.memory_space<hbm>>
      tpu.wait_indirect_dma semaphore(%arg7 : memref<!tpu.dma_semaphore, #tpu.memory_space<semaphore_mem>>) src(%dma_wait3A_30 : memref<1000000xi32, #tpu.memory_space<hbm>>) dst(%dma_wait3A_25 : memref<100xi32, #tpu.memory_space<vmem>>)
    }
    %scan3A_19 = arith.constant 256 : i32
    %add3A_20 = arith.addi %mul3A_2, %mul3A_7 : i32
    "tpu.region"() ({
      %run_scoped3A = tpu.sem_alloc : memref<!tpu.dma_semaphore, #tpu.memory_space<semaphore_mem>>
      %dma_start3A = arith.constant 0 : i32
      %dma_start3A_22 = tpu.memref_slice %arg4[%add3A_20, %dma_start3A] : memref<8192x100xi32, #tpu.memory_space<hbm>> -> memref<256x100xi32, #tpu.memory_space<hbm>>
      %dma_start3A_23 = arith.constant 0 : i32
      %dma_start3A_24 = tpu.memref_slice %arg4[%add3A_20, %dma_start3A_23] : memref<8192x100xi32, #tpu.memory_space<hbm>> -> memref<256x100xi32, #tpu.memory_space<hbm>>
      tpu.enqueue_dma source(%arg6 : memref<256x100xi32, #tpu.memory_space<vmem>>) target(%dma_start3A_24 : memref<256x100xi32, #tpu.memory_space<hbm>>) target_semaphore(%run_scoped3A : memref<!tpu.dma_semaphore, #tpu.memory_space<semaphore_mem>>)
      %dma_wait3A = arith.constant 0 : i32
      %dma_wait3A_25 = tpu.memref_slice %arg4[%add3A_20, %dma_wait3A] : memref<8192x100xi32, #tpu.memory_space<hbm>> -> memref<256x100xi32, #tpu.memory_space<hbm>>
      %dma_wait3A_26 = arith.constant 0 : i32
      %dma_wait3A_27 = tpu.memref_slice %arg4[%add3A_20, %dma_wait3A_26] : memref<8192x100xi32, #tpu.memory_space<hbm>> -> memref<256x100xi32, #tpu.memory_space<hbm>>
      tpu.wait_dma2 semaphore(%run_scoped3A : memref<!tpu.dma_semaphore, #tpu.memory_space<semaphore_mem>>) src(%arg6 : memref<256x100xi32, #tpu.memory_space<vmem>>) dst(%dma_wait3A_27 : memref<256x100xi32, #tpu.memory_space<hbm>>)
      tpu.yield
    }) : () -> ()
    %scan3A_21 = arith.constant 1 : i32
    return
  }
}

module attributes {stable_mosaic.version = 14 : i64} {
  func.func @_tc_tower(%arg0: i32, %arg1: memref<4x1x4096xf32, #tpu.memory_space<hbm>>, %arg2: memref<4096x100xi32, #tpu.memory_space<vmem>>, %arg3: memref<1x1x4096xf32, #tpu.memory_space<vmem>>, %arg4: memref<640x100xbf16, #tpu.memory_space<vmem>>, %arg5: memref<512x1xf32, #tpu.memory_space<vmem>>, %arg6: memref<8x100xbf16, #tpu.memory_space<vmem>>, %arg7: memref<256x512xbf16, #tpu.memory_space<vmem>>, %arg8: memref<256x1xf32, #tpu.memory_space<vmem>>, %arg9: memref<8x256xbf16, #tpu.memory_space<vmem>>, %arg10: memref<1xf32, #tpu.memory_space<smem>>, %arg11: memref<1x1x4096xf32, #tpu.memory_space<vmem>>, %arg12: memref<2xf32, #tpu.memory_space<smem>>, %arg13: memref<2xf32, #tpu.memory_space<smem>>) attributes {dimension_semantics = [#tpu.dimension_semantics<arbitrary>], iteration_bounds = array<i64: 2>, scalar_prefetch = 0 : i64, scratch_operands = 1 : i64, tpu.core_type = #tpu.core_type<tc>, window_params = [{}, {transform_indices = @transform_1, window_bounds = array<i64: 4096, 100>}, {transform_indices = @transform_2, window_bounds = array<i64: 1, 1, 4096>}, {pipeline_mode = #tpu.pipeline_mode<synchronous>, transform_indices = @transform_3, window_bounds = array<i64: 640, 100>}, {pipeline_mode = #tpu.pipeline_mode<synchronous>, transform_indices = @transform_4, window_bounds = array<i64: 512, 1>}, {pipeline_mode = #tpu.pipeline_mode<synchronous>, transform_indices = @transform_5, window_bounds = array<i64: 8, 100>}, {pipeline_mode = #tpu.pipeline_mode<synchronous>, transform_indices = @transform_6, window_bounds = array<i64: 256, 512>}, {pipeline_mode = #tpu.pipeline_mode<synchronous>, transform_indices = @transform_7, window_bounds = array<i64: 256, 1>}, {pipeline_mode = #tpu.pipeline_mode<synchronous>, transform_indices = @transform_8, window_bounds = array<i64: 8, 256>}, {transform_indices = @transform_9, window_bounds = array<i64: 1>}, {transform_indices = @transform_10, window_bounds = array<i64: 1, 1, 4096>}, {transform_indices = @transform_11, window_bounds = array<i64: 2>}]} {
    %get3A = arith.constant 0 : index
    %get3A_0 = arith.constant 0 : index
    %get3A_1 = vector.load %arg2[%get3A, %get3A_0] : memref<4096x100xi32, #tpu.memory_space<vmem>>, vector<4096x100xi32>
    %and3A = arith.constant -65536 : i32
    %and3A_2 = vector.broadcast %and3A : i32 to vector<4096x100xi32>
    %and3A_3 = arith.andi %get3A_1, %and3A_2 : vector<4096x100xi32>
    %bitcast_convert_type3A = tpu.bitcast %and3A_3 : vector<4096x100xi32> -> vector<4096x100xf32>
    %convert_element_type3A = arith.truncf %bitcast_convert_type3A : vector<4096x100xf32> to vector<4096x100xbf16>
    %shift_left3A = arith.constant 16 : i32
    %shift_left3A_4 = vector.broadcast %shift_left3A : i32 to vector<4096x100xi32>
    %shift_left3A_5 = arith.shli %get3A_1, %shift_left3A_4 : vector<4096x100xi32>
    %bitcast_convert_type3A_6 = tpu.bitcast %shift_left3A_5 : vector<4096x100xi32> -> vector<4096x100xf32>
    %convert_element_type3A_7 = arith.truncf %bitcast_convert_type3A_6 : vector<4096x100xf32> to vector<4096x100xbf16>
    %get3A_8 = arith.constant 0 : index
    %get3A_9 = arith.constant 0 : index
    %get3A_10 = vector.load %arg4[%get3A_8, %get3A_9] : memref<640x100xbf16, #tpu.memory_space<vmem>>, vector<640x100xbf16>
    %dot_general3A = arith.constant dense<0.000000e+00> : vector<640x4096xf32>
    %dot_general3A_11 = tpu.matmul %get3A_10, %convert_element_type3A, %dot_general3A {dimension_numbers = #tpu.dot_dimension_numbers<[1], [1], [0], [0], [0, 0, 1, 0], [], []>, transpose_lhs_hint = false} : vector<640x100xbf16>, vector<4096x100xbf16>, vector<640x4096xf32> -> vector<640x4096xf32>
    %slice3A = vector.extract_strided_slice %dot_general3A_11 {offsets = [512, 0], sizes = [1, 4096], strides = [1, 1]} : vector<640x4096xf32> to vector<1x4096xf32>
    %get3A_12 = arith.constant 0 : index
    %get3A_13 = arith.constant 0 : index
    %get3A_14 = vector.load %arg6[%get3A_12, %get3A_13] : memref<8x100xbf16, #tpu.memory_space<vmem>>, vector<8x100xbf16>
    %dot_general3A_15 = arith.constant dense<0.000000e+00> : vector<8x4096xf32>
    %dot_general3A_16 = tpu.matmul %get3A_14, %convert_element_type3A_7, %dot_general3A_15 {dimension_numbers = #tpu.dot_dimension_numbers<[1], [1], [0], [0], [0, 0, 1, 0], [], []>, transpose_lhs_hint = false} : vector<8x100xbf16>, vector<4096x100xbf16>, vector<8x4096xf32> -> vector<8x4096xf32>
    %slice3A_17 = vector.extract_strided_slice %dot_general3A_16 {offsets = [0, 0], sizes = [1, 4096], strides = [1, 1]} : vector<8x4096xf32> to vector<1x4096xf32>
    %slice3A_18 = vector.extract_strided_slice %dot_general3A_11 {offsets = [0, 0], sizes = [512, 4096], strides = [1, 1]} : vector<640x4096xf32> to vector<512x4096xf32>
    %get3A_19 = arith.constant 0 : index
    %get3A_20 = arith.constant 0 : index
    %get3A_21 = vector.load %arg5[%get3A_19, %get3A_20] : memref<512x1xf32, #tpu.memory_space<vmem>>, vector<512x1xf32>
    %add3A = vector.broadcast %get3A_21 : vector<512x1xf32> to vector<512x4096xf32>
    %add3A_22 = arith.addf %slice3A_18, %add3A : vector<512x4096xf32>
    %max3A = arith.constant 0.000000e+00 : f32
    %max3A_23 = vector.broadcast %max3A : f32 to vector<512x4096xf32>
    %max3A_24 = arith.maximumf %add3A_22, %max3A_23 : vector<512x4096xf32>
    %convert_element_type3A_25 = arith.truncf %max3A_24 : vector<512x4096xf32> to vector<512x4096xbf16>
    %get3A_26 = arith.constant 0 : index
    %get3A_27 = arith.constant 0 : index
    %get3A_28 = vector.load %arg7[%get3A_26, %get3A_27] : memref<256x512xbf16, #tpu.memory_space<vmem>>, vector<256x512xbf16>
    %dot_general3A_29 = arith.constant dense<0.000000e+00> : vector<256x4096xf32>
    %dot_general3A_30 = tpu.matmul %get3A_28, %convert_element_type3A_25, %dot_general3A_29 {dimension_numbers = #tpu.dot_dimension_numbers<[1], [0], [0], [1], [0, 0, 1, 1], [], []>, transpose_lhs_hint = false} : vector<256x512xbf16>, vector<512x4096xbf16>, vector<256x4096xf32> -> vector<256x4096xf32>
    %get3A_31 = arith.constant 0 : index
    %get3A_32 = arith.constant 0 : index
    %get3A_33 = vector.load %arg8[%get3A_31, %get3A_32] : memref<256x1xf32, #tpu.memory_space<vmem>>, vector<256x1xf32>
    %add3A_34 = vector.broadcast %get3A_33 : vector<256x1xf32> to vector<256x4096xf32>
    %add3A_35 = arith.addf %dot_general3A_30, %add3A_34 : vector<256x4096xf32>
    %max3A_36 = arith.constant 0.000000e+00 : f32
    %max3A_37 = vector.broadcast %max3A_36 : f32 to vector<256x4096xf32>
    %max3A_38 = arith.maximumf %add3A_35, %max3A_37 : vector<256x4096xf32>
    %convert_element_type3A_39 = arith.truncf %max3A_38 : vector<256x4096xf32> to vector<256x4096xbf16>
    %get3A_40 = arith.constant 0 : index
    %get3A_41 = arith.constant 0 : index
    %get3A_42 = vector.load %arg9[%get3A_40, %get3A_41] : memref<8x256xbf16, #tpu.memory_space<vmem>>, vector<8x256xbf16>
    %dot_general3A_43 = arith.constant dense<0.000000e+00> : vector<8x4096xf32>
    %dot_general3A_44 = tpu.matmul %get3A_42, %convert_element_type3A_39, %dot_general3A_43 {dimension_numbers = #tpu.dot_dimension_numbers<[1], [0], [0], [1], [0, 0, 1, 1], [], []>, transpose_lhs_hint = false} : vector<8x256xbf16>, vector<256x4096xbf16>, vector<8x4096xf32> -> vector<8x4096xf32>
    %get3A_45 = arith.constant 0 : index
    %get3A_46 = memref.load %arg10[%get3A_45] : memref<1xf32, #tpu.memory_space<smem>>
    %add3A_47 = vector.broadcast %get3A_46 : f32 to vector<1x4096xf32>
    %add3A_48 = arith.addf %slice3A, %add3A_47 : vector<1x4096xf32>
    %slice3A_49 = vector.extract_strided_slice %dot_general3A_44 {offsets = [0, 0], sizes = [1, 4096], strides = [1, 1]} : vector<8x4096xf32> to vector<1x4096xf32>
    %add3A_50 = arith.addf %add3A_48, %slice3A_49 : vector<1x4096xf32>
    %logistic3A = arith.negf %add3A_50 : vector<1x4096xf32>
    %logistic3A_51 = math.exp %logistic3A : vector<1x4096xf32>
    %logistic3A_52 = arith.constant 1.000000e+00 : f32
    %logistic3A_53 = vector.broadcast %logistic3A_52 : f32 to vector<1x4096xf32>
    %logistic3A_54 = arith.addf %logistic3A_53, %logistic3A_51 : vector<1x4096xf32>
    %logistic3A_55 = arith.divf %logistic3A_53, %logistic3A_54 : vector<1x4096xf32>
    %swap3A = arith.constant 0 : index
    %swap3A_56 = arith.constant 0 : index
    %swap3A_57 = arith.constant 0 : index
    %swap3A_58 = vector.load %arg11[%swap3A, %swap3A_56, %swap3A_57] : memref<1x1x4096xf32, #tpu.memory_space<vmem>>, vector<1x1x4096xf32>
    %swap3A_59 = vector.shape_cast %swap3A_58 : vector<1x1x4096xf32> to vector<1x4096xf32>
    %swap3A_60 = vector.shape_cast %logistic3A_55 : vector<1x4096xf32> to vector<1x1x4096xf32>
    tpu.vector_store %arg11[%swap3A, %swap3A_56, %swap3A_57], %swap3A_60 {strides = array<i32>} : memref<1x1x4096xf32, #tpu.memory_space<vmem>>, vector<1x1x4096xf32>,
    %logistic3A_61 = arith.negf %slice3A_17 : vector<1x4096xf32>
    %logistic3A_62 = math.exp %logistic3A_61 : vector<1x4096xf32>
    %logistic3A_63 = arith.constant 1.000000e+00 : f32
    %logistic3A_64 = vector.broadcast %logistic3A_63 : f32 to vector<1x4096xf32>
    %logistic3A_65 = arith.addf %logistic3A_64, %logistic3A_62 : vector<1x4096xf32>
    %logistic3A_66 = arith.divf %logistic3A_64, %logistic3A_65 : vector<1x4096xf32>
    %add3A_67 = arith.constant 5.000000e-01 : f32
    %add3A_68 = vector.broadcast %add3A_67 : f32 to vector<1x4096xf32>
    %add3A_69 = arith.addf %logistic3A_66, %add3A_68 : vector<1x4096xf32>
    %get3A_70 = arith.constant 0 : index
    %get3A_71 = arith.constant 0 : index
    %get3A_72 = arith.constant 0 : index
    %get3A_73 = vector.load %arg3[%get3A_70, %get3A_71, %get3A_72] : memref<1x1x4096xf32, #tpu.memory_space<vmem>>, vector<1x1x4096xf32>
    %get3A_74 = vector.shape_cast %get3A_73 : vector<1x1x4096xf32> to vector<1x4096xf32>
    %max3A_75 = arith.constant 0.000000e+00 : f32
    %max3A_76 = vector.broadcast %max3A_75 : f32 to vector<1x4096xf32>
    %max3A_77 = arith.maximumf %add3A_50, %max3A_76 : vector<1x4096xf32>
    %mul3A = arith.mulf %add3A_50, %get3A_74 : vector<1x4096xf32>
    %sub3A = arith.subf %max3A_77, %mul3A : vector<1x4096xf32>
    %abs3A = math.absf %add3A_50 : vector<1x4096xf32>
    %neg3A = arith.constant 0.000000e+00 : f32
    %neg3A_78 = vector.broadcast %neg3A : f32 to vector<1x4096xf32>
    %neg3A_79 = arith.subf %neg3A_78, %abs3A : vector<1x4096xf32>
    %exp3A = math.exp %neg3A_79 : vector<1x4096xf32>
    %log1p3A = math.log1p %exp3A : vector<1x4096xf32>
    %add3A_80 = arith.addf %sub3A, %log1p3A : vector<1x4096xf32>
    %mul3A_81 = arith.mulf %add3A_80, %add3A_69 : vector<1x4096xf32>
    %reduce_sum3A = vector.shape_cast %mul3A_81 : vector<1x4096xf32> to vector<1x1x4096xf32>
    %reduce_sum3A_82 = arith.constant dense<0.000000e+00> : vector<1xf32>
    %reduce_sum3A_83 = vector.multi_reduction <add>, %reduce_sum3A, %reduce_sum3A_82 [1, 2] : vector<1x1x4096xf32> to vector<1xf32>
    %reduce_sum3A_84 = vector.shape_cast %reduce_sum3A_83 : vector<1xf32> to vector<1x1x1xf32>
    %reduce_sum3A_85 = vector.extract %reduce_sum3A_84[0, 0, 0] : f32 from vector<1x1x1xf32>
    %reduce_sum3A_86 = vector.shape_cast %add3A_69 : vector<1x4096xf32> to vector<1x1x4096xf32>
    %reduce_sum3A_87 = arith.constant dense<0.000000e+00> : vector<1xf32>
    %reduce_sum3A_88 = vector.multi_reduction <add>, %reduce_sum3A_86, %reduce_sum3A_87 [1, 2] : vector<1x1x4096xf32> to vector<1xf32>
    %reduce_sum3A_89 = vector.shape_cast %reduce_sum3A_88 : vector<1xf32> to vector<1x1x1xf32>
    %reduce_sum3A_90 = vector.extract %reduce_sum3A_89[0, 0, 0] : f32 from vector<1x1x1xf32>
    %eq3A = arith.constant 0 : i32
    %eq3A_91 = arith.cmpi eq, %arg0, %eq3A : i32
    %convert_element_type3A_92 = arith.extui %eq3A_91 : i1 to i32
    %cond3A = arith.constant 0 : i32
    %cond3A_93 = arith.cmpi ne, %convert_element_type3A_92, %cond3A : i32
    scf.if %cond3A_93 {
      %swap3A_103 = arith.constant 0 : index
      %swap3A_104 = memref.load %arg13[%swap3A_103] : memref<2xf32, #tpu.memory_space<smem>>
      memref.store %reduce_sum3A_85, %arg13[%swap3A_103] : memref<2xf32, #tpu.memory_space<smem>>
      %swap3A_105 = arith.constant 1 : index
      %swap3A_106 = memref.load %arg13[%swap3A_105] : memref<2xf32, #tpu.memory_space<smem>>
      memref.store %reduce_sum3A_90, %arg13[%swap3A_105] : memref<2xf32, #tpu.memory_space<smem>>
    } else {
    }
    %gt3A = arith.constant 0 : i32
    %gt3A_94 = arith.cmpi sgt, %arg0, %gt3A : i32
    %convert_element_type3A_95 = arith.extui %gt3A_94 : i1 to i32
    %cond3A_96 = arith.constant 0 : i32
    %cond3A_97 = arith.cmpi ne, %convert_element_type3A_95, %cond3A_96 : i32
    scf.if %cond3A_97 {
      %get3A_103 = arith.constant 0 : index
      %get3A_104 = memref.load %arg13[%get3A_103] : memref<2xf32, #tpu.memory_space<smem>>
      %add3A_105 = arith.addf %get3A_104, %reduce_sum3A_85 : f32
      %swap3A_106 = arith.constant 0 : index
      %swap3A_107 = memref.load %arg13[%swap3A_106] : memref<2xf32, #tpu.memory_space<smem>>
      memref.store %add3A_105, %arg13[%swap3A_106] : memref<2xf32, #tpu.memory_space<smem>>
      %get3A_108 = arith.constant 1 : index
      %get3A_109 = memref.load %arg13[%get3A_108] : memref<2xf32, #tpu.memory_space<smem>>
      %add3A_110 = arith.addf %get3A_109, %reduce_sum3A_90 : f32
      %swap3A_111 = arith.constant 1 : index
      %swap3A_112 = memref.load %arg13[%swap3A_111] : memref<2xf32, #tpu.memory_space<smem>>
      memref.store %add3A_110, %arg13[%swap3A_111] : memref<2xf32, #tpu.memory_space<smem>>
    } else {
    }
    %eq3A_98 = arith.constant 1 : i32
    %eq3A_99 = arith.cmpi eq, %arg0, %eq3A_98 : i32
    %convert_element_type3A_100 = arith.extui %eq3A_99 : i1 to i32
    %cond3A_101 = arith.constant 0 : i32
    %cond3A_102 = arith.cmpi ne, %convert_element_type3A_100, %cond3A_101 : i32
    scf.if %cond3A_102 {
      %get3A_103 = arith.constant 0 : index
      %get3A_104 = memref.load %arg13[%get3A_103] : memref<2xf32, #tpu.memory_space<smem>>
      %swap3A_105 = arith.constant 0 : index
      %swap3A_106 = memref.load %arg12[%swap3A_105] : memref<2xf32, #tpu.memory_space<smem>>
      memref.store %get3A_104, %arg12[%swap3A_105] : memref<2xf32, #tpu.memory_space<smem>>
      %get3A_107 = arith.constant 1 : index
      %get3A_108 = memref.load %arg13[%get3A_107] : memref<2xf32, #tpu.memory_space<smem>>
      %swap3A_109 = arith.constant 1 : index
      %swap3A_110 = memref.load %arg12[%swap3A_109] : memref<2xf32, #tpu.memory_space<smem>>
      memref.store %get3A_108, %arg12[%swap3A_109] : memref<2xf32, #tpu.memory_space<smem>>
    } else {
    }
    return
  }
  func.func @transform_1(%arg0: i32) -> (i32, i32) {
    %c0_i32 = arith.constant 0 : i32
    %c0_i32_0 = arith.constant 0 : i32
    return %arg0, %c0_i32 : i32, i32
  }
  func.func @transform_2(%arg0: i32) -> (i32, i32, i32) {
    %c0_i32 = arith.constant 0 : i32
    %c0_i32_0 = arith.constant 0 : i32
    %c0_i32_1 = arith.constant 0 : i32
    return %arg0, %c0_i32, %c0_i32_0 : i32, i32, i32
  }
  func.func @transform_3(%arg0: i32) -> (i32, i32) {
    %c0_i32 = arith.constant 0 : i32
    %c0_i32_0 = arith.constant 0 : i32
    %c0_i32_1 = arith.constant 0 : i32
    return %c0_i32, %c0_i32_0 : i32, i32
  }
  func.func @transform_4(%arg0: i32) -> (i32, i32) {
    %c0_i32 = arith.constant 0 : i32
    %c0_i32_0 = arith.constant 0 : i32
    %c0_i32_1 = arith.constant 0 : i32
    return %c0_i32, %c0_i32_0 : i32, i32
  }
  func.func @transform_5(%arg0: i32) -> (i32, i32) {
    %c0_i32 = arith.constant 0 : i32
    %c0_i32_0 = arith.constant 0 : i32
    %c0_i32_1 = arith.constant 0 : i32
    return %c0_i32, %c0_i32_0 : i32, i32
  }
  func.func @transform_6(%arg0: i32) -> (i32, i32) {
    %c0_i32 = arith.constant 0 : i32
    %c0_i32_0 = arith.constant 0 : i32
    %c0_i32_1 = arith.constant 0 : i32
    return %c0_i32, %c0_i32_0 : i32, i32
  }
  func.func @transform_7(%arg0: i32) -> (i32, i32) {
    %c0_i32 = arith.constant 0 : i32
    %c0_i32_0 = arith.constant 0 : i32
    %c0_i32_1 = arith.constant 0 : i32
    return %c0_i32, %c0_i32_0 : i32, i32
  }
  func.func @transform_8(%arg0: i32) -> (i32, i32) {
    %c0_i32 = arith.constant 0 : i32
    %c0_i32_0 = arith.constant 0 : i32
    %c0_i32_1 = arith.constant 0 : i32
    return %c0_i32, %c0_i32_0 : i32, i32
  }
  func.func @transform_9(%arg0: i32) -> i32 {
    %c0_i32 = arith.constant 0 : i32
    %c0_i32_0 = arith.constant 0 : i32
    return %c0_i32 : i32
  }
  func.func @transform_10(%arg0: i32) -> (i32, i32, i32) {
    %add3A = arith.constant 0 : i32
    %add3A_0 = arith.addi %arg0, %add3A : i32
    %c0_i32 = arith.constant 0 : i32
    %c0_i32_1 = arith.constant 0 : i32
    %c0_i32_2 = arith.constant 0 : i32
    return %add3A_0, %c0_i32, %c0_i32_1 : i32, i32, i32
  }
  func.func @transform_11(%arg0: i32) -> i32 {
    %c0_i32 = arith.constant 0 : i32
    %c0_i32_0 = arith.constant 0 : i32
    return %c0_i32 : i32
  }
}

module attributes {stable_mosaic.version = 14 : i64} {
  func.func @_tc_tower(%arg0: i32, %arg1: memref<4x1x4096xf32, #tpu.memory_space<hbm>>, %arg2: memref<4096x100xi32, #tpu.memory_space<vmem>>, %arg3: memref<1x1x4096xf32, #tpu.memory_space<vmem>>, %arg4: memref<640x100xbf16, #tpu.memory_space<vmem>>, %arg5: memref<512x1xf32, #tpu.memory_space<vmem>>, %arg6: memref<8x100xbf16, #tpu.memory_space<vmem>>, %arg7: memref<256x512xbf16, #tpu.memory_space<vmem>>, %arg8: memref<256x1xf32, #tpu.memory_space<vmem>>, %arg9: memref<8x256xbf16, #tpu.memory_space<vmem>>, %arg10: memref<1xf32, #tpu.memory_space<smem>>, %arg11: memref<1x1x4096xf32, #tpu.memory_space<vmem>>, %arg12: memref<2xf32, #tpu.memory_space<smem>>, %arg13: memref<2xf32, #tpu.memory_space<smem>>) attributes {dimension_semantics = [#tpu.dimension_semantics<arbitrary>], iteration_bounds = array<i64: 2>, scalar_prefetch = 0 : i64, scratch_operands = 1 : i64, tpu.core_type = #tpu.core_type<tc>, window_params = [{}, {transform_indices = @transform_1, window_bounds = array<i64: 4096, 100>}, {transform_indices = @transform_2, window_bounds = array<i64: 1, 1, 4096>}, {pipeline_mode = #tpu.pipeline_mode<synchronous>, transform_indices = @transform_3, window_bounds = array<i64: 640, 100>}, {pipeline_mode = #tpu.pipeline_mode<synchronous>, transform_indices = @transform_4, window_bounds = array<i64: 512, 1>}, {pipeline_mode = #tpu.pipeline_mode<synchronous>, transform_indices = @transform_5, window_bounds = array<i64: 8, 100>}, {pipeline_mode = #tpu.pipeline_mode<synchronous>, transform_indices = @transform_6, window_bounds = array<i64: 256, 512>}, {pipeline_mode = #tpu.pipeline_mode<synchronous>, transform_indices = @transform_7, window_bounds = array<i64: 256, 1>}, {pipeline_mode = #tpu.pipeline_mode<synchronous>, transform_indices = @transform_8, window_bounds = array<i64: 8, 256>}, {transform_indices = @transform_9, window_bounds = array<i64: 1>}, {transform_indices = @transform_10, window_bounds = array<i64: 1, 1, 4096>}, {transform_indices = @transform_11, window_bounds = array<i64: 2>}]} {
    %get3A = arith.constant 0 : index
    %get3A_0 = arith.constant 0 : index
    %get3A_1 = vector.load %arg2[%get3A, %get3A_0] : memref<4096x100xi32, #tpu.memory_space<vmem>>, vector<4096x100xi32>
    %and3A = arith.constant -65536 : i32
    %and3A_2 = vector.broadcast %and3A : i32 to vector<4096x100xi32>
    %and3A_3 = arith.andi %get3A_1, %and3A_2 : vector<4096x100xi32>
    %bitcast_convert_type3A = tpu.bitcast %and3A_3 : vector<4096x100xi32> -> vector<4096x100xf32>
    %convert_element_type3A = arith.truncf %bitcast_convert_type3A : vector<4096x100xf32> to vector<4096x100xbf16>
    %shift_left3A = arith.constant 16 : i32
    %shift_left3A_4 = vector.broadcast %shift_left3A : i32 to vector<4096x100xi32>
    %shift_left3A_5 = arith.shli %get3A_1, %shift_left3A_4 : vector<4096x100xi32>
    %bitcast_convert_type3A_6 = tpu.bitcast %shift_left3A_5 : vector<4096x100xi32> -> vector<4096x100xf32>
    %convert_element_type3A_7 = arith.truncf %bitcast_convert_type3A_6 : vector<4096x100xf32> to vector<4096x100xbf16>
    %get3A_8 = arith.constant 0 : index
    %get3A_9 = arith.constant 0 : index
    %get3A_10 = vector.load %arg4[%get3A_8, %get3A_9] : memref<640x100xbf16, #tpu.memory_space<vmem>>, vector<640x100xbf16>
    %dot_general3A = arith.constant dense<0.000000e+00> : vector<640x4096xf32>
    %dot_general3A_11 = tpu.matmul %get3A_10, %convert_element_type3A, %dot_general3A {dimension_numbers = #tpu.dot_dimension_numbers<[1], [1], [0], [0], [0, 0, 1, 0], [], []>, transpose_lhs_hint = false} : vector<640x100xbf16>, vector<4096x100xbf16>, vector<640x4096xf32> -> vector<640x4096xf32>
    %slice3A = vector.extract_strided_slice %dot_general3A_11 {offsets = [512, 0], sizes = [1, 4096], strides = [1, 1]} : vector<640x4096xf32> to vector<1x4096xf32>
    %get3A_12 = arith.constant 0 : index
    %get3A_13 = arith.constant 0 : index
    %get3A_14 = vector.load %arg6[%get3A_12, %get3A_13] : memref<8x100xbf16, #tpu.memory_space<vmem>>, vector<8x100xbf16>
    %dot_general3A_15 = arith.constant dense<0.000000e+00> : vector<8x4096xf32>
    %dot_general3A_16 = tpu.matmul %get3A_14, %convert_element_type3A_7, %dot_general3A_15 {dimension_numbers = #tpu.dot_dimension_numbers<[1], [1], [0], [0], [0, 0, 1, 0], [], []>, transpose_lhs_hint = false} : vector<8x100xbf16>, vector<4096x100xbf16>, vector<8x4096xf32> -> vector<8x4096xf32>
    %slice3A_17 = vector.extract_strided_slice %dot_general3A_16 {offsets = [0, 0], sizes = [1, 4096], strides = [1, 1]} : vector<8x4096xf32> to vector<1x4096xf32>
    %slice3A_18 = vector.extract_strided_slice %dot_general3A_11 {offsets = [0, 0], sizes = [512, 4096], strides = [1, 1]} : vector<640x4096xf32> to vector<512x4096xf32>
    %get3A_19 = arith.constant 0 : index
    %get3A_20 = arith.constant 0 : index
    %get3A_21 = vector.load %arg5[%get3A_19, %get3A_20] : memref<512x1xf32, #tpu.memory_space<vmem>>, vector<512x1xf32>
    %add3A = vector.broadcast %get3A_21 : vector<512x1xf32> to vector<512x4096xf32>
    %add3A_22 = arith.addf %slice3A_18, %add3A : vector<512x4096xf32>
    %max3A = arith.constant 0.000000e+00 : f32
    %max3A_23 = vector.broadcast %max3A : f32 to vector<512x4096xf32>
    %max3A_24 = arith.maximumf %add3A_22, %max3A_23 : vector<512x4096xf32>
    %convert_element_type3A_25 = arith.truncf %max3A_24 : vector<512x4096xf32> to vector<512x4096xbf16>
    %get3A_26 = arith.constant 0 : index
    %get3A_27 = arith.constant 0 : index
    %get3A_28 = vector.load %arg7[%get3A_26, %get3A_27] : memref<256x512xbf16, #tpu.memory_space<vmem>>, vector<256x512xbf16>
    %dot_general3A_29 = arith.constant dense<0.000000e+00> : vector<256x4096xf32>
    %dot_general3A_30 = tpu.matmul %get3A_28, %convert_element_type3A_25, %dot_general3A_29 {dimension_numbers = #tpu.dot_dimension_numbers<[1], [0], [0], [1], [0, 0, 1, 1], [], []>, transpose_lhs_hint = false} : vector<256x512xbf16>, vector<512x4096xbf16>, vector<256x4096xf32> -> vector<256x4096xf32>
    %get3A_31 = arith.constant 0 : index
    %get3A_32 = arith.constant 0 : index
    %get3A_33 = vector.load %arg8[%get3A_31, %get3A_32] : memref<256x1xf32, #tpu.memory_space<vmem>>, vector<256x1xf32>
    %add3A_34 = vector.broadcast %get3A_33 : vector<256x1xf32> to vector<256x4096xf32>
    %add3A_35 = arith.addf %dot_general3A_30, %add3A_34 : vector<256x4096xf32>
    %max3A_36 = arith.constant 0.000000e+00 : f32
    %max3A_37 = vector.broadcast %max3A_36 : f32 to vector<256x4096xf32>
    %max3A_38 = arith.maximumf %add3A_35, %max3A_37 : vector<256x4096xf32>
    %convert_element_type3A_39 = arith.truncf %max3A_38 : vector<256x4096xf32> to vector<256x4096xbf16>
    %get3A_40 = arith.constant 0 : index
    %get3A_41 = arith.constant 0 : index
    %get3A_42 = vector.load %arg9[%get3A_40, %get3A_41] : memref<8x256xbf16, #tpu.memory_space<vmem>>, vector<8x256xbf16>
    %dot_general3A_43 = arith.constant dense<0.000000e+00> : vector<8x4096xf32>
    %dot_general3A_44 = tpu.matmul %get3A_42, %convert_element_type3A_39, %dot_general3A_43 {dimension_numbers = #tpu.dot_dimension_numbers<[1], [0], [0], [1], [0, 0, 1, 1], [], []>, transpose_lhs_hint = false} : vector<8x256xbf16>, vector<256x4096xbf16>, vector<8x4096xf32> -> vector<8x4096xf32>
    %get3A_45 = arith.constant 0 : index
    %get3A_46 = memref.load %arg10[%get3A_45] : memref<1xf32, #tpu.memory_space<smem>>
    %add3A_47 = vector.broadcast %get3A_46 : f32 to vector<1x4096xf32>
    %add3A_48 = arith.addf %slice3A, %add3A_47 : vector<1x4096xf32>
    %slice3A_49 = vector.extract_strided_slice %dot_general3A_44 {offsets = [0, 0], sizes = [1, 4096], strides = [1, 1]} : vector<8x4096xf32> to vector<1x4096xf32>
    %add3A_50 = arith.addf %add3A_48, %slice3A_49 : vector<1x4096xf32>
    %logistic3A = arith.negf %add3A_50 : vector<1x4096xf32>
    %logistic3A_51 = math.exp %logistic3A : vector<1x4096xf32>
    %logistic3A_52 = arith.constant 1.000000e+00 : f32
    %logistic3A_53 = vector.broadcast %logistic3A_52 : f32 to vector<1x4096xf32>
    %logistic3A_54 = arith.addf %logistic3A_53, %logistic3A_51 : vector<1x4096xf32>
    %logistic3A_55 = arith.divf %logistic3A_53, %logistic3A_54 : vector<1x4096xf32>
    %swap3A = arith.constant 0 : index
    %swap3A_56 = arith.constant 0 : index
    %swap3A_57 = arith.constant 0 : index
    %swap3A_58 = vector.load %arg11[%swap3A, %swap3A_56, %swap3A_57] : memref<1x1x4096xf32, #tpu.memory_space<vmem>>, vector<1x1x4096xf32>
    %swap3A_59 = vector.shape_cast %swap3A_58 : vector<1x1x4096xf32> to vector<1x4096xf32>
    %swap3A_60 = vector.shape_cast %logistic3A_55 : vector<1x4096xf32> to vector<1x1x4096xf32>
    tpu.vector_store %arg11[%swap3A, %swap3A_56, %swap3A_57], %swap3A_60 {strides = array<i32>} : memref<1x1x4096xf32, #tpu.memory_space<vmem>>, vector<1x1x4096xf32>,
    %logistic3A_61 = arith.negf %slice3A_17 : vector<1x4096xf32>
    %logistic3A_62 = math.exp %logistic3A_61 : vector<1x4096xf32>
    %logistic3A_63 = arith.constant 1.000000e+00 : f32
    %logistic3A_64 = vector.broadcast %logistic3A_63 : f32 to vector<1x4096xf32>
    %logistic3A_65 = arith.addf %logistic3A_64, %logistic3A_62 : vector<1x4096xf32>
    %logistic3A_66 = arith.divf %logistic3A_64, %logistic3A_65 : vector<1x4096xf32>
    %add3A_67 = arith.constant 5.000000e-01 : f32
    %add3A_68 = vector.broadcast %add3A_67 : f32 to vector<1x4096xf32>
    %add3A_69 = arith.addf %logistic3A_66, %add3A_68 : vector<1x4096xf32>
    %get3A_70 = arith.constant 0 : index
    %get3A_71 = arith.constant 0 : index
    %get3A_72 = arith.constant 0 : index
    %get3A_73 = vector.load %arg3[%get3A_70, %get3A_71, %get3A_72] : memref<1x1x4096xf32, #tpu.memory_space<vmem>>, vector<1x1x4096xf32>
    %get3A_74 = vector.shape_cast %get3A_73 : vector<1x1x4096xf32> to vector<1x4096xf32>
    %max3A_75 = arith.constant 0.000000e+00 : f32
    %max3A_76 = vector.broadcast %max3A_75 : f32 to vector<1x4096xf32>
    %max3A_77 = arith.maximumf %add3A_50, %max3A_76 : vector<1x4096xf32>
    %mul3A = arith.mulf %add3A_50, %get3A_74 : vector<1x4096xf32>
    %sub3A = arith.subf %max3A_77, %mul3A : vector<1x4096xf32>
    %abs3A = math.absf %add3A_50 : vector<1x4096xf32>
    %neg3A = arith.constant 0.000000e+00 : f32
    %neg3A_78 = vector.broadcast %neg3A : f32 to vector<1x4096xf32>
    %neg3A_79 = arith.subf %neg3A_78, %abs3A : vector<1x4096xf32>
    %exp3A = math.exp %neg3A_79 : vector<1x4096xf32>
    %log1p3A = math.log1p %exp3A : vector<1x4096xf32>
    %add3A_80 = arith.addf %sub3A, %log1p3A : vector<1x4096xf32>
    %mul3A_81 = arith.mulf %add3A_80, %add3A_69 : vector<1x4096xf32>
    %reduce_sum3A = vector.shape_cast %mul3A_81 : vector<1x4096xf32> to vector<1x1x4096xf32>
    %reduce_sum3A_82 = arith.constant dense<0.000000e+00> : vector<1xf32>
    %reduce_sum3A_83 = vector.multi_reduction <add>, %reduce_sum3A, %reduce_sum3A_82 [1, 2] : vector<1x1x4096xf32> to vector<1xf32>
    %reduce_sum3A_84 = vector.shape_cast %reduce_sum3A_83 : vector<1xf32> to vector<1x1x1xf32>
    %reduce_sum3A_85 = vector.extract %reduce_sum3A_84[0, 0, 0] : f32 from vector<1x1x1xf32>
    %reduce_sum3A_86 = vector.shape_cast %add3A_69 : vector<1x4096xf32> to vector<1x1x4096xf32>
    %reduce_sum3A_87 = arith.constant dense<0.000000e+00> : vector<1xf32>
    %reduce_sum3A_88 = vector.multi_reduction <add>, %reduce_sum3A_86, %reduce_sum3A_87 [1, 2] : vector<1x1x4096xf32> to vector<1xf32>
    %reduce_sum3A_89 = vector.shape_cast %reduce_sum3A_88 : vector<1xf32> to vector<1x1x1xf32>
    %reduce_sum3A_90 = vector.extract %reduce_sum3A_89[0, 0, 0] : f32 from vector<1x1x1xf32>
    %eq3A = arith.constant 0 : i32
    %eq3A_91 = arith.cmpi eq, %arg0, %eq3A : i32
    %convert_element_type3A_92 = arith.extui %eq3A_91 : i1 to i32
    %cond3A = arith.constant 0 : i32
    %cond3A_93 = arith.cmpi ne, %convert_element_type3A_92, %cond3A : i32
    scf.if %cond3A_93 {
      %swap3A_103 = arith.constant 0 : index
      %swap3A_104 = memref.load %arg13[%swap3A_103] : memref<2xf32, #tpu.memory_space<smem>>
      memref.store %reduce_sum3A_85, %arg13[%swap3A_103] : memref<2xf32, #tpu.memory_space<smem>>
      %swap3A_105 = arith.constant 1 : index
      %swap3A_106 = memref.load %arg13[%swap3A_105] : memref<2xf32, #tpu.memory_space<smem>>
      memref.store %reduce_sum3A_90, %arg13[%swap3A_105] : memref<2xf32, #tpu.memory_space<smem>>
    } else {
    }
    %gt3A = arith.constant 0 : i32
    %gt3A_94 = arith.cmpi sgt, %arg0, %gt3A : i32
    %convert_element_type3A_95 = arith.extui %gt3A_94 : i1 to i32
    %cond3A_96 = arith.constant 0 : i32
    %cond3A_97 = arith.cmpi ne, %convert_element_type3A_95, %cond3A_96 : i32
    scf.if %cond3A_97 {
      %get3A_103 = arith.constant 0 : index
      %get3A_104 = memref.load %arg13[%get3A_103] : memref<2xf32, #tpu.memory_space<smem>>
      %add3A_105 = arith.addf %get3A_104, %reduce_sum3A_85 : f32
      %swap3A_106 = arith.constant 0 : index
      %swap3A_107 = memref.load %arg13[%swap3A_106] : memref<2xf32, #tpu.memory_space<smem>>
      memref.store %add3A_105, %arg13[%swap3A_106] : memref<2xf32, #tpu.memory_space<smem>>
      %get3A_108 = arith.constant 1 : index
      %get3A_109 = memref.load %arg13[%get3A_108] : memref<2xf32, #tpu.memory_space<smem>>
      %add3A_110 = arith.addf %get3A_109, %reduce_sum3A_90 : f32
      %swap3A_111 = arith.constant 1 : index
      %swap3A_112 = memref.load %arg13[%swap3A_111] : memref<2xf32, #tpu.memory_space<smem>>
      memref.store %add3A_110, %arg13[%swap3A_111] : memref<2xf32, #tpu.memory_space<smem>>
    } else {
    }
    %eq3A_98 = arith.constant 1 : i32
    %eq3A_99 = arith.cmpi eq, %arg0, %eq3A_98 : i32
    %convert_element_type3A_100 = arith.extui %eq3A_99 : i1 to i32
    %cond3A_101 = arith.constant 0 : i32
    %cond3A_102 = arith.cmpi ne, %convert_element_type3A_100, %cond3A_101 : i32
    scf.if %cond3A_102 {
      %get3A_103 = arith.constant 0 : index
      %get3A_104 = memref.load %arg13[%get3A_103] : memref<2xf32, #tpu.memory_space<smem>>
      %swap3A_105 = arith.constant 0 : index
      %swap3A_106 = memref.load %arg12[%swap3A_105] : memref<2xf32, #tpu.memory_space<smem>>
      memref.store %get3A_104, %arg12[%swap3A_105] : memref<2xf32, #tpu.memory_space<smem>>
      %get3A_107 = arith.constant 1 : index
      %get3A_108 = memref.load %arg13[%get3A_107] : memref<2xf32, #tpu.memory_space<smem>>
      %swap3A_109 = arith.constant 1 : index
      %swap3A_110 = memref.load %arg12[%swap3A_109] : memref<2xf32, #tpu.memory_space<smem>>
      memref.store %get3A_108, %arg12[%swap3A_109] : memref<2xf32, #tpu.memory_space<smem>>
    } else {
    }
    return
  }
  func.func @transform_1(%arg0: i32) -> (i32, i32) {
    %c0_i32 = arith.constant 0 : i32
    %c0_i32_0 = arith.constant 0 : i32
    return %arg0, %c0_i32 : i32, i32
  }
  func.func @transform_2(%arg0: i32) -> (i32, i32, i32) {
    %c0_i32 = arith.constant 0 : i32
    %c0_i32_0 = arith.constant 0 : i32
    %c0_i32_1 = arith.constant 0 : i32
    return %arg0, %c0_i32, %c0_i32_0 : i32, i32, i32
  }
  func.func @transform_3(%arg0: i32) -> (i32, i32) {
    %c0_i32 = arith.constant 0 : i32
    %c0_i32_0 = arith.constant 0 : i32
    %c0_i32_1 = arith.constant 0 : i32
    return %c0_i32, %c0_i32_0 : i32, i32
  }
  func.func @transform_4(%arg0: i32) -> (i32, i32) {
    %c0_i32 = arith.constant 0 : i32
    %c0_i32_0 = arith.constant 0 : i32
    %c0_i32_1 = arith.constant 0 : i32
    return %c0_i32, %c0_i32_0 : i32, i32
  }
  func.func @transform_5(%arg0: i32) -> (i32, i32) {
    %c0_i32 = arith.constant 0 : i32
    %c0_i32_0 = arith.constant 0 : i32
    %c0_i32_1 = arith.constant 0 : i32
    return %c0_i32, %c0_i32_0 : i32, i32
  }
  func.func @transform_6(%arg0: i32) -> (i32, i32) {
    %c0_i32 = arith.constant 0 : i32
    %c0_i32_0 = arith.constant 0 : i32
    %c0_i32_1 = arith.constant 0 : i32
    return %c0_i32, %c0_i32_0 : i32, i32
  }
  func.func @transform_7(%arg0: i32) -> (i32, i32) {
    %c0_i32 = arith.constant 0 : i32
    %c0_i32_0 = arith.constant 0 : i32
    %c0_i32_1 = arith.constant 0 : i32
    return %c0_i32, %c0_i32_0 : i32, i32
  }
  func.func @transform_8(%arg0: i32) -> (i32, i32) {
    %c0_i32 = arith.constant 0 : i32
    %c0_i32_0 = arith.constant 0 : i32
    %c0_i32_1 = arith.constant 0 : i32
    return %c0_i32, %c0_i32_0 : i32, i32
  }
  func.func @transform_9(%arg0: i32) -> i32 {
    %c0_i32 = arith.constant 0 : i32
    %c0_i32_0 = arith.constant 0 : i32
    return %c0_i32 : i32
  }
  func.func @transform_10(%arg0: i32) -> (i32, i32, i32) {
    %add3A = arith.constant 2 : i32
    %add3A_0 = arith.addi %arg0, %add3A : i32
    %c0_i32 = arith.constant 0 : i32
    %c0_i32_1 = arith.constant 0 : i32
    %c0_i32_2 = arith.constant 0 : i32
    return %add3A_0, %c0_i32, %c0_i32_1 : i32, i32, i32
  }
  func.func @transform_11(%arg0: i32) -> i32 {
    %c0_i32 = arith.constant 0 : i32
    %c0_i32_0 = arith.constant 0 : i32
    return %c0_i32 : i32
  }
}

</mosaic_0001>

<sc_bundles>
// kernel: kernel.6.cloned.1.call-start
scs
__scs_entry_jumppad:
0x0: {  	(pc) =	sbr.rel $0x88, $3  }
0x1: {  	(tag) =	ssettag $0x0;
	lr =	simm.s32 $0x1  }
0x2: {  	[smem:$0x3F96] =	sst lr;
	_ =	strace $0xD0000000  }
0x3: {  	_ = 	snop  }
0x4: {  	_ = 	snop  }
0x5: {  	_ = 	snop  }
0x6: {  	_ = 	snop  }
0x7: {  	_ = 	snop  }
__scs_overlays_trampoline_lowered:
0x8: {  	[smem:$0x3FA5] =	sst s0  }
0x9: {  	[smem:$0x3FA6] =	sst s1  }
0xa: {  	[smem:$0x3FA7] =	sst s2  }
0xb: {  	[smem:$0x3FA8] =	sst s3  }
0xc: {  	[smem:$0x3FA9] =	sst s4  }
0xd: {  	[smem:$0x3FAA] =	sst s5  }
0xe: {  	[smem:$0x3FAB] =	sst s6  }
0xf: {  	[smem:$0x3FAC] =	sst s7  }
0x10: {  	[smem:$0x3FAD] =	sst s8  }
0x11: {  	[smem:$0x3FAE] =	sst s9;
	s0 =	simm.s32 @!p0 $0x0  }
0x12: {  	s1 =	sld [smem:$0x3F94];
	s0 =	simm.s32 @p0 $0x1  }
0x13: {  	[smem:$0x3FAF] =	sst s0;
	s0 =	simm.s32 @!p1 $0x0  }
0x14: {  	s2 =	sld [smem:$0x3F93];
	s0 =	simm.s32 @p1 $0x1  }
0x15: {  	[smem:$0x3FB0] =	sst s0;
	s0 =	simm.s32 @!p2 $0x0  }
0x16: {  	s3 =	sld [smem:$0x3FDB];
	s0 =	simm.s32 @p2 $0x1  }
0x17: {  	s4 =	simm.s32 $0x1BF5;
	[smem:$0x3FB2] =	sst s0  }
0x18: {  	s0 =	sld [smem:$0x3F95];
	_ =	swait.ge [sflag:s4], $0x0  }
0x19: {  	s7 =	sld [smem:$0x3F96]  }
0x1a: {  	s8 =	sadd.s32 $0xFFFFE003, lr  }
0x1b: {  	s9 =	sadd.s32 $0xFFFFFEF7, lr;
	s5 =	simm.s32 $0xFFFFFFFF;
	p2 =	slt.u32 s8, $0xFFFFF086  }
0x1c: {  	p1 =	slt.u32 s9, $0xF7A;
	s5 =	simm.s32 @!p2 $0x0  }
0x1d: {  	s5 =	simm.s32 @p1 $0x1;
	p0 =	seq.s32 s7, s2  }
0x1e: {  	s7 =	smul.u32 @!p0 $0xF7A, s2;
	p2 =	seq.s32 @!p0 s5, $0x0  }
0x1f: {  	s9 =	smul.u32 $0xF7A, s1;
	s8 =	simm.s32 @!p0 $0x1BF5;
	p2 =	por !p2, p0  }
0x20: {  	[sflag:s8] =	ssyncset.s32 @!p0 $0xFFFFF086;
	s6 =	sadd.s32 @!p0 s3, s7;
	s7 =	simm.s32 @!p0 $0x108  }
0x21: {  	s3 =	sadd.s32 s3, s9;
	s6 =	sadd.s32 @!p0 $0x88, s6;
	s7 =	simm.s32 @p2 $0x1082  }
0x22: {  	[simem:s7], [sflag:s8] =	dma.local @!p0 [hbm:s6], $0xF7A  }
0x23: {  	s9 =	sor.u32 $0xD0000000, s2;
	s6 =	simm.s32 $0x108;
	_ =	swait.ge @!p0 [sflag:s8], $0x0  }
0x24: {  	s3 =	sadd.s32 $0x88, s3;
	s6 =	simm.s32 @!p1 $0x1082;
	[sflag:s4] =	ssyncset.s32 $0xFFFFF086  }
0x25: {  	[simem:s6], [sflag:s4] =	dma.local [hbm:s3], $0xF7A  }
0x26: {  	[smem:$0x3F96] =	sst s1;
	(tag) =	ssettag s2;
	_ =	strace s9  }
0x27: {  	s1 =	sld [smem:$0x3FA6]  }
0x28: {  	s2 =	sld [smem:$0x3FA7]  }
0x29: {  	s4 =	sld [smem:$0x3FA9]  }
0x2a: {  	p0 =	seq.s32 s5, $0x0;
	s5 =	sld [smem:$0x3FAA]  }
0x2b: {  	s6 =	sld [smem:$0x3FAB]  }
0x2c: {  	s7 =	sld [smem:$0x3FAC]  }
0x2d: {  	s3 =	simm.s32 $0x108;
	s8 =	sld [smem:$0x3FAD]  }
0x2e: {  	s3 =	simm.s32 @!p0 $0x1082;
	s9 =	sld [smem:$0x3FAE]  }
0x2f: {  	lr =	sadd.s32 s0, s3;
	s0 =	sld [smem:$0x3FA5]  }
0x30: {  	s3 =	sld [smem:$0x3FA8]  }
0x31: {  	[smem:$0x3FB1] =	sst s10  }
0x32: {  	s10 =	sld [smem:$0x3FAF];
	_ =	sdelay $0x3  }
0x33: {  	p0 =	seq.s32 s10, $0x1;
	s10 =	sld [smem:$0x3FB1];
	_ =	sdelay $0x3  }
0x34: {  	[smem:$0x3FB1] =	sst s10  }
0x35: {  	s10 =	sld [smem:$0x3FB0];
	_ =	sdelay $0x3  }
0x36: {  	p1 =	seq.s32 s10, $0x1;
	s10 =	sld [smem:$0x3FB1];
	_ =	sdelay $0x3  }
0x37: {  	[smem:$0x3FB1] =	sst s10  }
0x38: {  	s10 =	sld [smem:$0x3FB2]  }
0x39: {  	_ = 	snop;
	(pc) =	sbr.ind lr, $3  }
0x3a: {  	_ = 	snop  }
0x3b: {  	_ = 	snop  }
0x3c: {  	p2 =	seq.s32 s10, $0x1;
	s10 =	sld [smem:$0x3FB1]  }
0x3d: {  	_ =	shalt  }
0x3e: {  	_ =	shalt  }
0x3f: {  	_ =	shalt  }
0x40: {  	_ =	shalt  }
0x41: {  	_ =	shalt  }
0x42: {  	_ =	shalt  }
0x43: {  	_ =	shalt  }
0x44: {  	_ =	shalt  }
0x45: {  	_ =	shalt  }
0x46: {  	_ =	shalt  }
0x47: {  	_ =	shalt  }
0x48: {  	_ =	shalt  }
0x49: {  	_ =	shalt  }
0x4a: {  	_ =	shalt  }
0x4b: {  	_ =	shalt  }
0x4c: {  	_ =	shalt  }
0x4d: {  	_ =	shalt  }
0x4e: {  	_ =	shalt  }
0x4f: {  	_ =	shalt  }
0x50: {  	_ =	shalt  }
0x51: {  	_ =	shalt  }
0x52: {  	_ =	shalt  }
0x53: {  	_ =	shalt  }
0x54: {  	_ =	shalt  }
0x55: {  	_ =	shalt  }
0x56: {  	_ =	shalt  }
0x57: {  	_ =	shalt  }
0x58: {  	_ =	shalt  }
0x59: {  	_ =	shalt  }
0x5a: {  	_ =	shalt  }
0x5b: {  	_ =	shalt  }
0x5c: {  	_ =	shalt  }
0x5d: {  	_ =	shalt  }
0x5e: {  	_ =	shalt  }
0x5f: {  	_ =	shalt  }
0x60: {  	_ =	shalt  }
0x61: {  	_ =	shalt  }
0x62: {  	_ =	shalt  }
0x63: {  	_ =	shalt  }
0x64: {  	_ =	shalt  }
0x65: {  	_ =	shalt  }
0x66: {  	_ =	shalt  }
0x67: {  	_ =	shalt  }
0x68: {  	_ =	shalt  }
0x69: {  	_ =	shalt  }
0x6a: {  	_ =	shalt  }
0x6b: {  	_ =	shalt  }
0x6c: {  	_ =	shalt  }
0x6d: {  	_ =	shalt  }
0x6e: {  	_ =	shalt  }
0x6f: {  	_ =	shalt  }
0x70: {  	_ =	shalt  }
0x71: {  	_ =	shalt  }
0x72: {  	_ =	shalt  }
0x73: {  	_ =	shalt  }
0x74: {  	_ =	shalt  }
0x75: {  	_ =	shalt  }
0x76: {  	_ =	shalt  }
0x77: {  	_ =	shalt  }
0x78: {  	_ =	shalt  }
0x79: {  	_ =	shalt  }
0x7a: {  	_ =	shalt  }
0x7b: {  	_ =	shalt  }
0x7c: {  	_ =	shalt  }
0x7d: {  	_ =	shalt  }
0x7e: {  	_ =	shalt  }
0x7f: {  	_ =	shalt  }
0x80: {  	_ =	shalt  }
0x81: {  	_ =	shalt  }
0x82: {  	_ =	shalt  }
0x83: {  	_ =	shalt  }
0x84: {  	_ =	shalt  }
0x85: {  	_ =	shalt  }
0x86: {  	_ =	shalt  }
0x87: {  	_ =	shalt  }
.Lfunc_end0:
.L_simem_size_0:
called_computation_lowered:
.L_overlay_start_0:
0x88: {  	s2 =	sld [smem:$0x3FD9]  }
0x89: {  	s3 =	sld [smem:$0x3FFE];
	_ =	sdelay $0x1  }
0x8a: {  	s1 =	srdreg.scid  }
0x8b: {  	s0 =	sand.u32 $0x1, s1  }
0x8c: {  	s16 =	sshll.u32 s0, $0xA;
	s2 =	sadd.s32 s3, s2  }
0x8d: {  	s2 =	sadd.s32 s2, s16  }
0x8e: {  	[smem:$0x3FBD] =	sst s2  }
0x8f: {  	_ = 	snop  }
0x90: {  	(tm) =	ssettm $0x1  }
0x91: {  	s17 =	sld [smem:$0x3FFB];
	_ =	sdelay $0x3  }
0x92: {  	_ =	strace s17  }
0x93: {  	s2 =	sld [smem:$0x3FFC];
	_ =	sdelay $0x3  }
0x94: {  	_ =	strace s2  }
0x95: {  	s2 =	sld [smem:$0x3FFD];
	_ =	sdelay $0x3  }
0x96: {  	_ =	strace s2  }
0x97: {  	_ =	strace $0x8FFFFFFF  }
0x98: {  	s18 =	sld [smem:$0x3FDB];
	_ =	sdelay $0x1  }
0x99: {  	s19 =	simm.s32 $_scs_section_size  }
0x9a: {  	s4 =	simm.s32 $_size__tile_overlayer_lowered;
	s5 =	simm.s32 $_tile_overlayer_lowered  }
0x9b: {  	s22 =	simm.s32 $0x1BFF;
	s21 =	sshll.u32 s5, $0x1;
	s2 =	sadd.s32 s19, s18  }
0x9c: {  	s6 =	simm.s32 $0x0;
	s20 =	sshll.u32 s4, $0x1;
	s4 =	sadd.s32 s21, s2  }
0x9d: {  	[timem:s6], [sflag:s22] =	dma.local [hbm:s4], s20  }
0x9e: {  	_ =	swait.ge [sflag:s22], s20  }
0x9f: {  	s3 =	ssub.s32 $0x0, s20;
	[sflag:s22] =	ssyncset.done $0x0  }
0xa0: {  	[sflag:s22] =	ssyncadd.s32 s3;
	_ =	sdelay $0x1  }
0xa1: {  	s23 =	simm.s32 $0x1B8B  }
0xa2: {  	_ =	swait.ge [sflag:s23], $0x1  }
0xa3: {  	[sflag:s23] =	ssyncset.done $0x0  }
0xa4: {  	s25 =	simm.s32 $0x1B8E;
	s24 =	sld [smem:$0x3FFE];
	[sflag:s23] =	ssyncadd.s32 $0xFFFFFFFF  }
0xa5: {  	s26 =	simm.s32 $execute0_lowered;
	[smem:$0x3FD2] =	sst s25  }
0xa6: {  	s4 =	sshll.u32 s26, $0x1;
	_ =	strace $0x80000046;
	[dreg:$0x1] =	wrdreg $0xFFFFFFFF  }
0xa7: {  	s28 =	simm.s32 $_size_execute0_lowered;
	s2 =	sadd.s32 s2, s4;
	[dreg:$0x0] =	wrdreg $0x0  }
0xa8: {  	s4 =	sshll.u32 s28, $0x1;
	[dreg:$0x2] =	wrdreg s2  }
0xa9: {  	[dreg:$0x3] =	wrdreg s4  }
0xaa: {  	[dreg:$0x4] =	wrdreg $0xC0  }
0xab: {  	_ =	task [dreg:s6], $0x5FFFF  }
0xac: {  	[dreg:$0x1] =	wrdreg $0xFFFFFFFF  }
0xad: {  	[dreg:$0x0] =	wrdreg $0x60  }
0xae: {  	[dreg:$0x2] =	wrdreg s24  }
0xaf: {  	[dreg:$0x3] =	wrdreg $0x9  }
0xb0: {  	_ =	task.clear_ibuf [dreg:s6], $0x4FFFF;
	_ =	strace $0x90000046  }
0xb1: {  	s29 =	simm.s32 $0x9;
	_ =	strace $0x80000048  }
0xb2: {  	_ =	swait.ge [sflag:s29], $0x1  }
0xb3: {  	[sflag:s29] =	ssyncadd.s32 $0xFFFFFFFF  }
0xb4: {  	_ =	strace $0x90000048  }
0xb5: {  	_ =	sfence  }
0xb6: {  	s30 =	sld [smem:$0x0];
	_ =	sdelay $0x2  }
0xb7: {  	s31 =	sshll.u32 s1, $0xD;
	s1 =	sshrl.u32 s1, $0x2  }
0xb8: {  	s3 =	sand.u32 $0x4000, s31;
	s1 =	sadd.s32 s1, s30  }
0xb9: {  	s0 =	sor.u32 s3, s0;
	s1 =	sshll.u32 s1, $0x11  }
0xba: {  	s0 =	sor.u32 s1, s0  }
0xbb: {  	s0 =	sadd.s32 $0x8F2B, s0  }
0xbc: {  	[sflag:s0] =	ssyncadd.remote.s32 $0x1  }
0xbd: {  	_ =	sfence.sel $0xFFFF  }
0xbe: {  	[dreg:$0x0] =	wrdreg $0xFFFFFFFF;
	(pc) =	sbr.abs _section_cstart, $3  }
0xbf: {  	[dreg:$0x1] =	wrdreg $0xFFFFFFFF  }
0xc0: {  	_ =	task.clear_ibuf [dreg:s6], $0x2FFFF;
	_ =	strace $0x9FFFFFFF  }
0xc1: {  	(tm) =	ssettm $0x7FFFFFFF  }
tec
execute0_lowered:
.L_overlay_start_1:
0x0: {  	(tag) =	ssettag $0x1  }
0x1: {  	s4 =	rddreg [dreg:$0x0]  }
0x2: {  	s0 =	rddreg [dreg:$0x1];
	s3 =	srdreg.scid  }
0x3: {  	s2 =	simm.s32 $0x0;
	s1 =	stileid.u32;
	s7 =	simm.s32 $0x2  }
0x4: {  	s8 =	simm.s32 $0x64;
	s9 =	simm.s32 $0x1;
	s10 =	simm.s32 $0x8000  }
0x5: {  	s11 =	simm.s32 $0x0;
	s3 =	sand.u32 $0x1, s3;
	[smem:$0x7FF] =	sst s2  }
0x6: {  	s5 =	sshll.u32 s1, $0xD;
	s6 =	sshll.u32 s3, $0xC;
	s30 =	ssub.s32 $0x2, s3  }
0x7: {  	_ =	strace $0x80000047;
	s5 =	sor.u32 s6, s5;
	s31 =	sshrl.u32 s30, $0x1  }
0x8: {  	s3 =	sadd.s32 $0x42400, s4;
	s5 =	sadd.s32 s5, s4;
	s6 =	ssub.s32 s30, s31  }
0x9: {  	s4 =	sadd.s32 $0x2400, s5;
	s5 =	sadd.s32 $0x60E00, s5;
	s6 =	smax.u32 s6, $0x1  }
.LBB2_1:
0xa: {  	[tilespmem:s2], [sflag:$0x2] =	stream.linear.gather [hbm4b:s4+s2], $0x8000, $0x38;
	[tilespmem:$0x10000] =	vst v63  }
0xb: {  	_ =	swait.ge [sflag:s7], $0x8000  }
0xc: {  	[sflag:s7] =	ssyncset.done $0x0  }
0xd: {  	s12 =	simm.s32 $0x0;
	[sflag:s7] =	ssyncadd.s32 $0xFFFF8000  }
.LBB2_2:
0xe: {  	p0 =	sne.s32 s12, $0x1FE00  }
.Ltmp0:
0xf: {  	_ = 	snop;
	(pc) =	sbr.rel @p0 .LBB2_2-.Ltmp0, $4  }
0x10: {  	_ = 	snop  }
0x11: {  	s13 =	sshra.s32 s12, $0x2  }
0x12: {  	s12 =	sadd.s32 $0x200, s12;
	s14 =	sadd.s32 $0x8000, s13  }
0x13: {  	[tilespmem:s14], [sflag:$0x1] =	stream.indirect.gather [hbm4b:s3+s8], $0x1, s13, s8, $0xb8;
	[tilespmem:$0x10000] =	vst v63  }
0x14: {  	_ =	swait.ge [sflag:s9], $0x64  }
0x15: {  	s12 =	simm.s32 $0xFF;
	[sflag:s9] =	ssyncset.done $0x0  }
.LBB2_4:
0x16: {  	p0 =	sne.s32 s12, $0x1;
	s12 =	sadd.s32 $0xFFFFFFFF, s12;
	[sflag:s9] =	ssyncadd.s32 $0xFFFFFF9C  }
.Ltmp1:
0x17: {  	(pc) =	sbr.rel @p0 .LBB2_4-.Ltmp1, $3  }
0x18: {  	_ =	sdelay $0x1  }
0x19: {  	_ =	swait.ge [sflag:s9], $0x64  }
0x1a: {  	[sflag:s9] =	ssyncset.done $0x0  }
0x1b: {  	s11 =	sadd.s32 $0x1, s11  }
0x1c: {  	p0 =	sne.s32 s11, s6  }
.Ltmp2:
0x1d: {  	[sflag:s9] =	ssyncadd.s32 $0xFFFFFF9C;
	(pc) =	sbr.rel @p0 .LBB2_1-.Ltmp2, $4  }
0x1e: {  	[hbm4b:s5+s2] =	stream.linear.scatter [tilespmem:s10], [sflag:$0x2], $0x8000, $0x38;
	[tilespmem:$0x10000] =	vst v63  }
0x1f: {  	_ =	swait.ge [sflag:s7], $0x8000  }
0x20: {  	[sflag:s7] =	ssyncset.done $0x0  }
0x21: {  	[sflag:s7] =	ssyncadd.s32 $0xFFFF8000  }
0x22: {  	_ =	sfence.sel $0x180000  }
0x23: {  	[bflag:$0x0] =	sbarrier.arrive $0xFFFF  }
0x24: {  	p0 =	sne.s32 s1, $0x0;
	_ =	strace $0x90000047  }
0x25: {  	s0 =	sadd.s32 @!p0 $0x100000, s0;
	[bflag:$0x2] =	sbarrier.arrive $0xFFFF  }
0x26: {  	[sflag:s0] =	ssyncadd.tile.s32 @!p0 $0x1;
	_ =	shalt  }
.Lfunc_end2:
_tile_overlayer_lowered:
.L_overlay_start_2:
0x27: {  	(tag) =	ssettag $0x2  }
0x28: {  	s0 =	rddreg [dreg:$0x0];
	s2 =	stileid.u32  }
0x29: {  	s1 =	rddreg [dreg:$0x1];
	p0 =	sne.s32 s2, $0x0  }
0x2a: {  	s3 =	rddreg [dreg:$0x2];
	[bflag:$0x3] =	sbarrier.arrive $0xFFFF;
	s2 =	simm.s32 @!p0 $0x1C02  }
0x2b: {  	[timem:s3], [sflag:s2] =	dma.local @!p0 [hbm:s0], s1  }
0x2c: {  	s0 =	simm.s32 @!p0 $0x2  }
0x2d: {  	_ =	swait.ge @!p0 [sflag:s0], s1  }
0x2e: {  	s1 =	ssub.s32 @!p0 $0x0, s1;
	[sflag:s0] =	ssyncset.done @!p0 $0x0  }
0x2f: {  	[sflag:s0] =	ssyncadd.s32 @!p0 s1  }
0x30: {  	[bflag:$0x3] =	sbarrier.arrive $0xFFFF  }
0x31: {  	_ =	shalt  }

// kernel: kernel.9.cloned.1.call-start
scs
__scs_entry_jumppad:
0x0: {  	(pc) =	sbr.rel $0x88, $3  }
0x1: {  	(tag) =	ssettag $0x0;
	lr =	simm.s32 $0x1  }
0x2: {  	[smem:$0x3F96] =	sst lr;
	_ =	strace $0xD0000000  }
0x3: {  	_ = 	snop  }
0x4: {  	_ = 	snop  }
0x5: {  	_ = 	snop  }
0x6: {  	_ = 	snop  }
0x7: {  	_ = 	snop  }
__scs_overlays_trampoline_lowered:
0x8: {  	[smem:$0x3FA5] =	sst s0  }
0x9: {  	[smem:$0x3FA6] =	sst s1  }
0xa: {  	[smem:$0x3FA7] =	sst s2  }
0xb: {  	[smem:$0x3FA8] =	sst s3  }
0xc: {  	[smem:$0x3FA9] =	sst s4  }
0xd: {  	[smem:$0x3FAA] =	sst s5  }
0xe: {  	[smem:$0x3FAB] =	sst s6  }
0xf: {  	[smem:$0x3FAC] =	sst s7  }
0x10: {  	[smem:$0x3FAD] =	sst s8  }
0x11: {  	[smem:$0x3FAE] =	sst s9;
	s0 =	simm.s32 @!p0 $0x0  }
0x12: {  	s1 =	sld [smem:$0x3F94];
	s0 =	simm.s32 @p0 $0x1  }
0x13: {  	[smem:$0x3FAF] =	sst s0;
	s0 =	simm.s32 @!p1 $0x0  }
0x14: {  	s2 =	sld [smem:$0x3F93];
	s0 =	simm.s32 @p1 $0x1  }
0x15: {  	[smem:$0x3FB0] =	sst s0;
	s0 =	simm.s32 @!p2 $0x0  }
0x16: {  	s3 =	sld [smem:$0x3FDB];
	s0 =	simm.s32 @p2 $0x1  }
0x17: {  	s4 =	simm.s32 $0x1BF5;
	[smem:$0x3FB2] =	sst s0  }
0x18: {  	s0 =	sld [smem:$0x3F95];
	_ =	swait.ge [sflag:s4], $0x0  }
0x19: {  	s7 =	sld [smem:$0x3F96]  }
0x1a: {  	s8 =	sadd.s32 $0xFFFFE003, lr  }
0x1b: {  	s9 =	sadd.s32 $0xFFFFFEF7, lr;
	s5 =	simm.s32 $0xFFFFFFFF;
	p2 =	slt.u32 s8, $0xFFFFF086  }
0x1c: {  	p1 =	slt.u32 s9, $0xF7A;
	s5 =	simm.s32 @!p2 $0x0  }
0x1d: {  	s5 =	simm.s32 @p1 $0x1;
	p0 =	seq.s32 s7, s2  }
0x1e: {  	s7 =	smul.u32 @!p0 $0xF7A, s2;
	p2 =	seq.s32 @!p0 s5, $0x0  }
0x1f: {  	s9 =	smul.u32 $0xF7A, s1;
	s8 =	simm.s32 @!p0 $0x1BF5;
	p2 =	por !p2, p0  }
0x20: {  	[sflag:s8] =	ssyncset.s32 @!p0 $0xFFFFF086;
	s6 =	sadd.s32 @!p0 s3, s7;
	s7 =	simm.s32 @!p0 $0x108  }
0x21: {  	s3 =	sadd.s32 s3, s9;
	s6 =	sadd.s32 @!p0 $0x88, s6;
	s7 =	simm.s32 @p2 $0x1082  }
0x22: {  	[simem:s7], [sflag:s8] =	dma.local @!p0 [hbm:s6], $0xF7A  }
0x23: {  	s9 =	sor.u32 $0xD0000000, s2;
	s6 =	simm.s32 $0x108;
	_ =	swait.ge @!p0 [sflag:s8], $0x0  }
0x24: {  	s3 =	sadd.s32 $0x88, s3;
	s6 =	simm.s32 @!p1 $0x1082;
	[sflag:s4] =	ssyncset.s32 $0xFFFFF086  }
0x25: {  	[simem:s6], [sflag:s4] =	dma.local [hbm:s3], $0xF7A  }
0x26: {  	[smem:$0x3F96] =	sst s1;
	(tag) =	ssettag s2;
	_ =	strace s9  }
0x27: {  	s1 =	sld [smem:$0x3FA6]  }
0x28: {  	s2 =	sld [smem:$0x3FA7]  }
0x29: {  	s4 =	sld [smem:$0x3FA9]  }
0x2a: {  	p0 =	seq.s32 s5, $0x0;
	s5 =	sld [smem:$0x3FAA]  }
0x2b: {  	s6 =	sld [smem:$0x3FAB]  }
0x2c: {  	s7 =	sld [smem:$0x3FAC]  }
0x2d: {  	s3 =	simm.s32 $0x108;
	s8 =	sld [smem:$0x3FAD]  }
0x2e: {  	s3 =	simm.s32 @!p0 $0x1082;
	s9 =	sld [smem:$0x3FAE]  }
0x2f: {  	lr =	sadd.s32 s0, s3;
	s0 =	sld [smem:$0x3FA5]  }
0x30: {  	s3 =	sld [smem:$0x3FA8]  }
0x31: {  	[smem:$0x3FB1] =	sst s10  }
0x32: {  	s10 =	sld [smem:$0x3FAF];
	_ =	sdelay $0x3  }
0x33: {  	p0 =	seq.s32 s10, $0x1;
	s10 =	sld [smem:$0x3FB1];
	_ =	sdelay $0x3  }
0x34: {  	[smem:$0x3FB1] =	sst s10  }
0x35: {  	s10 =	sld [smem:$0x3FB0];
	_ =	sdelay $0x3  }
0x36: {  	p1 =	seq.s32 s10, $0x1;
	s10 =	sld [smem:$0x3FB1];
	_ =	sdelay $0x3  }
0x37: {  	[smem:$0x3FB1] =	sst s10  }
0x38: {  	s10 =	sld [smem:$0x3FB2]  }
0x39: {  	_ = 	snop;
	(pc) =	sbr.ind lr, $3  }
0x3a: {  	_ = 	snop  }
0x3b: {  	_ = 	snop  }
0x3c: {  	p2 =	seq.s32 s10, $0x1;
	s10 =	sld [smem:$0x3FB1]  }
0x3d: {  	_ =	shalt  }
0x3e: {  	_ =	shalt  }
0x3f: {  	_ =	shalt  }
0x40: {  	_ =	shalt  }
0x41: {  	_ =	shalt  }
0x42: {  	_ =	shalt  }
0x43: {  	_ =	shalt  }
0x44: {  	_ =	shalt  }
0x45: {  	_ =	shalt  }
0x46: {  	_ =	shalt  }
0x47: {  	_ =	shalt  }
0x48: {  	_ =	shalt  }
0x49: {  	_ =	shalt  }
0x4a: {  	_ =	shalt  }
0x4b: {  	_ =	shalt  }
0x4c: {  	_ =	shalt  }
0x4d: {  	_ =	shalt  }
0x4e: {  	_ =	shalt  }
0x4f: {  	_ =	shalt  }
0x50: {  	_ =	shalt  }
0x51: {  	_ =	shalt  }
0x52: {  	_ =	shalt  }
0x53: {  	_ =	shalt  }
0x54: {  	_ =	shalt  }
0x55: {  	_ =	shalt  }
0x56: {  	_ =	shalt  }
0x57: {  	_ =	shalt  }
0x58: {  	_ =	shalt  }
0x59: {  	_ =	shalt  }
0x5a: {  	_ =	shalt  }
0x5b: {  	_ =	shalt  }
0x5c: {  	_ =	shalt  }
0x5d: {  	_ =	shalt  }
0x5e: {  	_ =	shalt  }
0x5f: {  	_ =	shalt  }
0x60: {  	_ =	shalt  }
0x61: {  	_ =	shalt  }
0x62: {  	_ =	shalt  }
0x63: {  	_ =	shalt  }
0x64: {  	_ =	shalt  }
0x65: {  	_ =	shalt  }
0x66: {  	_ =	shalt  }
0x67: {  	_ =	shalt  }
0x68: {  	_ =	shalt  }
0x69: {  	_ =	shalt  }
0x6a: {  	_ =	shalt  }
0x6b: {  	_ =	shalt  }
0x6c: {  	_ =	shalt  }
0x6d: {  	_ =	shalt  }
0x6e: {  	_ =	shalt  }
0x6f: {  	_ =	shalt  }
0x70: {  	_ =	shalt  }
0x71: {  	_ =	shalt  }
0x72: {  	_ =	shalt  }
0x73: {  	_ =	shalt  }
0x74: {  	_ =	shalt  }
0x75: {  	_ =	shalt  }
0x76: {  	_ =	shalt  }
0x77: {  	_ =	shalt  }
0x78: {  	_ =	shalt  }
0x79: {  	_ =	shalt  }
0x7a: {  	_ =	shalt  }
0x7b: {  	_ =	shalt  }
0x7c: {  	_ =	shalt  }
0x7d: {  	_ =	shalt  }
0x7e: {  	_ =	shalt  }
0x7f: {  	_ =	shalt  }
0x80: {  	_ =	shalt  }
0x81: {  	_ =	shalt  }
0x82: {  	_ =	shalt  }
0x83: {  	_ =	shalt  }
0x84: {  	_ =	shalt  }
0x85: {  	_ =	shalt  }
0x86: {  	_ =	shalt  }
0x87: {  	_ =	shalt  }
.Lfunc_end0:
.L_simem_size_0:
called_computation.1_lowered:
.L_overlay_start_0:
0x88: {  	s2 =	sld [smem:$0x3FD9]  }
0x89: {  	s3 =	sld [smem:$0x3FFE];
	_ =	sdelay $0x1  }
0x8a: {  	s1 =	srdreg.scid  }
0x8b: {  	s0 =	sand.u32 $0x1, s1  }
0x8c: {  	s17 =	sshll.u32 s0, $0xA;
	s2 =	sadd.s32 s3, s2  }
0x8d: {  	s2 =	sadd.s32 s2, s17  }
0x8e: {  	[smem:$0x3FBD] =	sst s2  }
0x8f: {  	_ = 	snop  }
0x90: {  	(tm) =	ssettm $0x1  }
0x91: {  	s18 =	sld [smem:$0x3FFB];
	_ =	sdelay $0x3  }
0x92: {  	_ =	strace s18  }
0x93: {  	s2 =	sld [smem:$0x3FFC];
	_ =	sdelay $0x3  }
0x94: {  	_ =	strace s2  }
0x95: {  	s2 =	sld [smem:$0x3FFD];
	_ =	sdelay $0x3  }
0x96: {  	_ =	strace s2  }
0x97: {  	_ =	strace $0x8FFFFFFF  }
0x98: {  	s19 =	sld [smem:$0x3FDB];
	_ =	sdelay $0x1  }
0x99: {  	s20 =	simm.s32 $_scs_section_size  }
0x9a: {  	s4 =	simm.s32 $_size__tile_overlayer_lowered;
	s5 =	simm.s32 $_tile_overlayer_lowered  }
0x9b: {  	s6 =	simm.s32 $0x1BFF;
	s21 =	sshll.u32 s5, $0x1;
	s3 =	sadd.s32 s20, s19  }
0x9c: {  	s22 =	simm.s32 $0x0;
	s4 =	sshll.u32 s4, $0x1;
	s5 =	sadd.s32 s21, s3  }
0x9d: {  	[timem:s22], [sflag:s6] =	dma.local [hbm:s5], s4  }
0x9e: {  	_ =	swait.ge [sflag:s6], s4  }
0x9f: {  	s4 =	ssub.s32 $0x0, s4;
	[sflag:s6] =	ssyncset.done $0x0  }
0xa0: {  	[sflag:s6] =	ssyncadd.s32 s4;
	_ =	sdelay $0x1  }
0xa1: {  	s23 =	simm.s32 $0x1B8B  }
0xa2: {  	_ =	swait.ge [sflag:s23], $0x1  }
0xa3: {  	[sflag:s23] =	ssyncset.done $0x0  }
0xa4: {  	[sflag:s23] =	ssyncadd.s32 $0xFFFFFFFF  }
0xa5: {  	s4 =	sld [smem:$0x0]  }
0xa6: {  	s5 =	sand.u32 $0xFFFFFFFE, s1  }
0xa7: {  	p0 =	sne.s32 s1, s5  }
0xa8: {  	s5 =	sshll.u32 @p0 s5, $0xE  }
0xa9: {  	s5 =	sadd.s32 @p0 $0x11B8D, s5;
	s6 =	sshll.u32 @p0 s4, $0x11  }
0xaa: {  	s5 =	sor.u32 @p0 s6, s5  }
0xab: {  	[sflag:s5] =	ssyncadd.remote.s32 @p0 $0x1;
	_ =	sdelay $0x1  }
0xac: {  	s5 =	simm.s32 @p0 $0x1B8D  }
0xad: {  	_ =	swait.eq @p0 [sflag:s5], $0x1  }
0xae: {  	[sflag:s5] =	ssyncadd.s32 @p0 $0xFFFFFFFF  }
0xaf: {  	s6 =	sshll.u32 @!p0 s1, $0xE  }
0xb0: {  	s6 =	sor.u32 @!p0 $0x4000, s6;
	s5 =	simm.s32 @!p0 $0x1B8D  }
0xb1: {  	s4 =	sshll.u32 @!p0 s4, $0x11;
	s6 =	sadd.s32 @!p0 $0x11B8D, s6;
	_ =	swait.eq @!p0 [sflag:s5], $0x1  }
0xb2: {  	s4 =	sor.u32 @!p0 s4, s6;
	[sflag:s5] =	ssyncadd.s32 @!p0 $0xFFFFFFFF  }
0xb3: {  	s25 =	simm.s32 $0x1B8E;
	s24 =	sld [smem:$0x3FFE];
	[sflag:s4] =	ssyncadd.remote.s32 @!p0 $0x1  }
0xb4: {  	s26 =	simm.s32 $execute0_lowered;
	[smem:$0x3FD2] =	sst s25  }
0xb5: {  	s5 =	sshll.u32 s26, $0x1;
	_ =	strace $0x80000049;
	[dreg:$0x1] =	wrdreg $0xFFFFFFFF  }
0xb6: {  	s28 =	simm.s32 $_size_execute0_lowered;
	s3 =	sadd.s32 s3, s5;
	[dreg:$0x0] =	wrdreg $0x0  }
0xb7: {  	s5 =	sshll.u32 s28, $0x1;
	[dreg:$0x2] =	wrdreg s3  }
0xb8: {  	[dreg:$0x3] =	wrdreg s5  }
0xb9: {  	[dreg:$0x4] =	wrdreg $0xC0  }
0xba: {  	_ =	task [dreg:s22], $0x5FFFF  }
0xbb: {  	[dreg:$0x1] =	wrdreg $0xFFFFFFFF  }
0xbc: {  	[dreg:$0x0] =	wrdreg $0x60  }
0xbd: {  	[dreg:$0x2] =	wrdreg s24  }
0xbe: {  	[dreg:$0x3] =	wrdreg $0xA  }
0xbf: {  	_ =	task.clear_ibuf [dreg:s22], $0x4FFFF;
	_ =	strace $0x90000049  }
0xc0: {  	s29 =	simm.s32 $0xA;
	_ =	strace $0x8000004B  }
0xc1: {  	_ =	swait.ge [sflag:s29], $0x1  }
0xc2: {  	[sflag:s29] =	ssyncadd.s32 $0xFFFFFFFF  }
0xc3: {  	_ =	strace $0x9000004B  }
0xc4: {  	_ =	sfence  }
0xc5: {  	s30 =	sld [smem:$0x0];
	_ =	sdelay $0x2  }
0xc6: {  	s31 =	sshll.u32 s1, $0xD;
	s1 =	sshrl.u32 s1, $0x2  }
0xc7: {  	s4 =	sand.u32 $0x4000, s31;
	s1 =	sadd.s32 s1, s30  }
0xc8: {  	s0 =	sor.u32 s4, s0;
	s1 =	sshll.u32 s1, $0x11  }
0xc9: {  	s0 =	sor.u32 s1, s0  }
0xca: {  	s0 =	sadd.s32 $0x8F2B, s0  }
0xcb: {  	[sflag:s0] =	ssyncadd.remote.s32 $0x1  }
0xcc: {  	_ =	sfence.sel $0xFFFF  }
0xcd: {  	[dreg:$0x0] =	wrdreg $0xFFFFFFFF;
	(pc) =	sbr.abs _section_cstart, $3  }
0xce: {  	[dreg:$0x1] =	wrdreg $0xFFFFFFFF  }
0xcf: {  	_ =	task.clear_ibuf [dreg:s22], $0x2FFFF;
	_ =	strace $0x9FFFFFFF  }
0xd0: {  	(tm) =	ssettm $0x7FFFFFFF  }
0xd1: {  	_ =	shalt  }
tec
execute0_lowered:
.L_overlay_start_1:
0x0: {  	(tag) =	ssettag $0x1  }
0x1: {  	s4 =	rddreg [dreg:$0x0]  }
0x2: {  	s0 =	rddreg [dreg:$0x1];
	s3 =	srdreg.scid  }
0x3: {  	s2 =	simm.s32 $0x0;
	s1 =	stileid.u32;
	s7 =	simm.s32 $0x2  }
0x4: {  	s8 =	simm.s32 $0x64;
	s9 =	simm.s32 $0x1;
	s10 =	simm.s32 $0x8000  }
0x5: {  	s11 =	simm.s32 $0x0;
	s3 =	sand.u32 $0x1, s3;
	[smem:$0x7FF] =	sst s2  }
0x6: {  	s5 =	sshll.u32 s1, $0xD;
	s6 =	sshll.u32 s3, $0xC;
	s30 =	ssub.s32 $0x2, s3  }
0x7: {  	_ =	strace $0x8000004A;
	s5 =	sor.u32 s6, s5;
	s31 =	sshrl.u32 s30, $0x1  }
0x8: {  	s3 =	sadd.s32 $0x42400, s4;
	s5 =	sadd.s32 s5, s4;
	s6 =	ssub.s32 s30, s31  }
0x9: {  	s4 =	sadd.s32 $0x22400, s5;
	s5 =	sadd.s32 $0x80E00, s5;
	s6 =	smax.u32 s6, $0x1  }
.LBB2_1:
0xa: {  	[tilespmem:s2], [sflag:$0x2] =	stream.linear.gather [hbm4b:s4+s2], $0x8000, $0x38;
	[tilespmem:$0x10000] =	vst v63  }
0xb: {  	_ =	swait.ge [sflag:s7], $0x8000  }
0xc: {  	[sflag:s7] =	ssyncset.done $0x0  }
0xd: {  	s12 =	simm.s32 $0x0;
	[sflag:s7] =	ssyncadd.s32 $0xFFFF8000  }
.LBB2_2:
0xe: {  	p0 =	sne.s32 s12, $0x1FE00  }
.Ltmp0:
0xf: {  	_ = 	snop;
	(pc) =	sbr.rel @p0 .LBB2_2-.Ltmp0, $4  }
0x10: {  	_ = 	snop  }
0x11: {  	s13 =	sshra.s32 s12, $0x2  }
0x12: {  	s12 =	sadd.s32 $0x200, s12;
	s14 =	sadd.s32 $0x8000, s13  }
0x13: {  	[tilespmem:s14], [sflag:$0x1] =	stream.indirect.gather [hbm4b:s3+s8], $0x1, s13, s8, $0xb8;
	[tilespmem:$0x10000] =	vst v63  }
0x14: {  	_ =	swait.ge [sflag:s9], $0x64  }
0x15: {  	s12 =	simm.s32 $0xFF;
	[sflag:s9] =	ssyncset.done $0x0  }
.LBB2_4:
0x16: {  	p0 =	sne.s32 s12, $0x1;
	s12 =	sadd.s32 $0xFFFFFFFF, s12;
	[sflag:s9] =	ssyncadd.s32 $0xFFFFFF9C  }
.Ltmp1:
0x17: {  	(pc) =	sbr.rel @p0 .LBB2_4-.Ltmp1, $3  }
0x18: {  	_ =	sdelay $0x1  }
0x19: {  	_ =	swait.ge [sflag:s9], $0x64  }
0x1a: {  	[sflag:s9] =	ssyncset.done $0x0  }
0x1b: {  	s11 =	sadd.s32 $0x1, s11  }
0x1c: {  	p0 =	sne.s32 s11, s6  }
.Ltmp2:
0x1d: {  	[sflag:s9] =	ssyncadd.s32 $0xFFFFFF9C;
	(pc) =	sbr.rel @p0 .LBB2_1-.Ltmp2, $4  }
0x1e: {  	[hbm4b:s5+s2] =	stream.linear.scatter [tilespmem:s10], [sflag:$0x2], $0x8000, $0x38;
	[tilespmem:$0x10000] =	vst v63  }
0x1f: {  	_ =	swait.ge [sflag:s7], $0x8000  }
0x20: {  	[sflag:s7] =	ssyncset.done $0x0  }
0x21: {  	[sflag:s7] =	ssyncadd.s32 $0xFFFF8000  }
0x22: {  	_ =	sfence.sel $0x180000  }
0x23: {  	[bflag:$0x0] =	sbarrier.arrive $0xFFFF  }
0x24: {  	p0 =	sne.s32 s1, $0x0;
	_ =	strace $0x9000004A  }
0x25: {  	s0 =	sadd.s32 @!p0 $0x100000, s0;
	[bflag:$0x2] =	sbarrier.arrive $0xFFFF  }
0x26: {  	[sflag:s0] =	ssyncadd.tile.s32 @!p0 $0x1;
	_ =	shalt  }
.Lfunc_end2:
_tile_overlayer_lowered:
.L_overlay_start_2:
0x27: {  	(tag) =	ssettag $0x2  }
0x28: {  	s0 =	rddreg [dreg:$0x0];
	s2 =	stileid.u32  }
0x29: {  	s1 =	rddreg [dreg:$0x1];
	p0 =	sne.s32 s2, $0x0  }
0x2a: {  	s3 =	rddreg [dreg:$0x2];
	[bflag:$0x3] =	sbarrier.arrive $0xFFFF;
	s2 =	simm.s32 @!p0 $0x1C02  }
0x2b: {  	[timem:s3], [sflag:s2] =	dma.local @!p0 [hbm:s0], s1  }
0x2c: {  	s0 =	simm.s32 @!p0 $0x2  }
0x2d: {  	_ =	swait.ge @!p0 [sflag:s0], s1  }
0x2e: {  	s1 =	ssub.s32 @!p0 $0x0, s1;
	[sflag:s0] =	ssyncset.done @!p0 $0x0  }
0x2f: {  	[sflag:s0] =	ssyncadd.s32 @!p0 s1  }
0x30: {  	[bflag:$0x3] =	sbarrier.arrive $0xFFFF  }
0x31: {  	_ =	shalt  }

</sc_bundles>
